<compile_context>
chip_gen: v7x
topology: tpu7x:2x2x1
jax: 0.10.2.dev20260603
libtpu: 0.0.44.dev20260713+nightly
codegen_flags: <defaults>
</compile_context>

<pallas_src>
import functools

import jax
import jax.numpy as jnp
from jax import lax
from jax.experimental import pallas as pl
from jax.experimental.pallas import tpu as pltpu
from jax.experimental.pallas import tpu_sc as plsc

_L = 16
_U = 4


@functools.lru_cache(maxsize=None)
def _make_embed(D, B, S):
    info = plsc.get_sparse_core_info()
    NC, NS = info.num_cores, info.num_subcores
    NW = NC * NS
    POS_PER_W = S // NW
    KP = 8
    NCH = POS_PER_W // KP
    NBUF = B
    NIT = NCH * B
    IPR = D // (_U * _L)

    mesh = plsc.VectorSubcoreMesh(core_axis_name="c", subcore_axis_name="s")

    scratch = (
        [pltpu.VMEM((B * POS_PER_W,), jnp.int32)]
        + [pltpu.VMEM((KP, D), jnp.float32) for _ in range(2)]
        + [pltpu.VMEM((KP, D), jnp.float32) for _ in range(NBUF)]
        + [pltpu.SemaphoreType.DMA for _ in range(2 + 2 * NBUF)]
    )

    @functools.partial(
        pl.kernel,
        mesh=mesh,
        out_type=jax.ShapeDtypeStruct((B, S, D), jnp.float32),
        scratch_types=scratch,
    )
    def body(ids_hbm, wte_hbm, wpe_hbm, out_hbm, idx_v, *bufs):
        pbufs = bufs[0:2]
        gbufs = bufs[2:2 + NBUF]
        psems = bufs[2 + NBUF:4 + NBUF]
        gsems = bufs[4 + NBUF:4 + 2 * NBUF]
        osems = bufs[4 + 2 * NBUF:4 + 3 * NBUF]

        wid = lax.axis_index("s") * NC + lax.axis_index("c")
        p0 = wid * POS_PER_W
        ids_cp = [
            pltpu.make_async_copy(ids_hbm.at[b, pl.ds(p0, POS_PER_W)],
                                  idx_v.at[pl.ds(b * POS_PER_W, POS_PER_W)],
                                  bufs[4 + 2 * B + b])
            for b in range(B)
        ]
        for c in ids_cp:
            c.start()

        def pbuf_copy(pc, par):
            return pltpu.make_async_copy(
                wpe_hbm.at[pl.ds(p0 + pc * KP, KP)], pbufs[par], psems[par])

        def gather_copy(pc, b):
            idx = idx_v.at[pl.ds(b * POS_PER_W + pc * KP, KP)]
            return pltpu.make_async_copy(
                wte_hbm.at[idx], gbufs[b], gsems[b])

        def store_copy(pc, b):
            return pltpu.make_async_copy(
                gbufs[b], out_hbm.at[b, pl.ds(p0 + pc * KP, KP)], osems[b])

        def add_chunk(b, par):
            gb, pb = gbufs[b], pbufs[par]

            def addall(jj, _, gb=gb, pb=pb):
                r = jj // IPR
                c0 = (jj % IPR) * (_U * _L)
                for u in range(_U):
                    sl = pl.ds(c0 + u * _L, _L)
                    plsc.addupdate(gb.at[r, sl], pb[r, sl])
                return 0
            lax.fori_loop(0, KP * IPR, addall, 0)

        pbuf_copy(0, 0).start()
        for b in range(NBUF - 1):
            ids_cp[b].wait()
            gather_copy(0, b).start()
        ids_cp[NBUF - 1].wait()

        def ahead(half, b):
            d, b2 = divmod(B * half + b + NBUF - 1, B)
            return d, b2

        def trip(t, _):
            for half in range(2):
                pc = 2 * t + half
                par = half
                for b in range(B):
                    i = B * (2 * t + half) + b
                    if b == 0:
                        if half == 0:
                            pbuf_copy(pc + 1, 1).start()
                        else:
                            @pl.when(t < NCH // 2 - 1)
                            def _():
                                pbuf_copy(pc + 1, 0).start()
                        pbuf_copy(pc, par).wait()
                    gather_copy(pc, b).wait()
                    add_chunk(b, par)
                    store_copy(pc, b).start()
                    d, b2 = ahead(half, b)
                    if half == 0:
                        @pl.when(i >= 1)
                        def _():
                            pcp, bp = (pc, b - 1) if b else (pc - 1, B - 1)
                            store_copy(pcp, bp).wait()
                        gather_copy(2 * t + d, b2).start()
                    else:
                        @pl.when(i + NBUF - 1 < NIT)
                        def _():
                            pcp, bp = (pc, b - 1) if b else (pc - 1, B - 1)
                            store_copy(pcp, bp).wait()
                            gather_copy(2 * t + d, b2).start()
            return 0

        lax.fori_loop(0, NCH // 2, trip, 0)
        for b in range(B):
            store_copy(NCH - 1, b).wait()

    return body


def kernel(input_ids, attention_mask, wte, wpe):
    B_, S_ = input_ids.shape
    D_ = wte.shape[1]
    fn = _make_embed(D_, B_, S_)
    hidden = fn(input_ids.astype(jnp.int32), wte, wpe)
    return (hidden, input_ids.reshape(-1, S_), attention_mask)

# --- scband reference (transcript-rebuilt; emitter-appended) ---
"""Pipeline reference for scband-gptembedding-14010183319755 (READ-ONLY COPY).

The authoritative reference and input builder live on the scoring server;
editing this copy changes nothing except your own understanding.
"""

import jax, jax.numpy as jnp
import numpy as np

VOCAB = 50257
D_MODEL = 2048
MAX_POS = 4096
B = 4
S = 2048


def setup_inputs(seed: int = 0) -> dict:
    key = jax.random.key(seed)
    k1, k2, k3 = jax.random.split(key, 3)
    input_ids = jax.random.randint(k1, (B, S), 0, VOCAB)
    attention_mask = jnp.ones((B, S), dtype=jnp.int32)
    # learned parameters sized per init_kwargs config
    wte = jax.random.normal(k2, (VOCAB, D_MODEL), dtype=jnp.float32) * 0.02
    wpe = jax.random.normal(k3, (MAX_POS, D_MODEL), dtype=jnp.float32) * 0.02
    return {"input_ids": input_ids, "attention_mask": attention_mask, "wte": wte, "wpe": wpe}


def reference(input_ids, attention_mask, wte, wpe):
    # forward(args): args = (input_ids, attention_mask)
    input_shape = input_ids.shape
    input_ids = input_ids.reshape(-1, input_shape[-1])
    seq_len = input_shape[-1]
    past_length = 0
    position_ids = jnp.arange(past_length, seq_len + past_length, dtype=jnp.int32)
    position_ids = position_ids[None, :].reshape(-1, seq_len)
    inputs_embeds = jnp.take(wte, input_ids, axis=0)
    position_embeds = jnp.take(wpe, position_ids, axis=0)
    hidden_states = inputs_embeds + position_embeds
    # dropout p=0.0 (eval) -> identity
    return (hidden_states, input_ids, attention_mask)

if __name__ == "__main__":
    import jax
    _d = setup_inputs()
    print(jax.jit(kernel)(*tuple(_d.values())))

</pallas_src>

<mosaic_0001>
#map = affine_map<(d0, d1) -> (0, 0)>
#map1 = affine_map<(d0, d1) -> (0, 0, 0)>
module attributes {stable_mosaic.version = 14 : i64} {
  func.func @body(%arg0: i32, %arg1: i32, %arg2: memref<4x2048xi32, #tpu.memory_space<hbm>>, %arg3: memref<50257x2048xf32, #tpu.memory_space<hbm>>, %arg4: memref<4096x2048xf32, #tpu.memory_space<hbm>>, %arg5: memref<4x2048x2048xf32, #tpu.memory_space<hbm>>, %arg6: memref<256xi32, #tpu.memory_space<vmem>>, %arg7: memref<8x2048xf32, #tpu.memory_space<vmem>>, %arg8: memref<8x2048xf32, #tpu.memory_space<vmem>>, %arg9: memref<8x2048xf32, #tpu.memory_space<vmem>>, %arg10: memref<8x2048xf32, #tpu.memory_space<vmem>>, %arg11: memref<8x2048xf32, #tpu.memory_space<vmem>>, %arg12: memref<8x2048xf32, #tpu.memory_space<vmem>>, %arg13: memref<!tpu.dma_semaphore, #tpu.memory_space<semaphore_mem>>, %arg14: memref<!tpu.dma_semaphore, #tpu.memory_space<semaphore_mem>>, %arg15: memref<!tpu.dma_semaphore, #tpu.memory_space<semaphore_mem>>, %arg16: memref<!tpu.dma_semaphore, #tpu.memory_space<semaphore_mem>>, %arg17: memref<!tpu.dma_semaphore, #tpu.memory_space<semaphore_mem>>, %arg18: memref<!tpu.dma_semaphore, #tpu.memory_space<semaphore_mem>>, %arg19: memref<!tpu.dma_semaphore, #tpu.memory_space<semaphore_mem>>, %arg20: memref<!tpu.dma_semaphore, #tpu.memory_space<semaphore_mem>>, %arg21: memref<!tpu.dma_semaphore, #tpu.memory_space<semaphore_mem>>, %arg22: memref<!tpu.dma_semaphore, #tpu.memory_space<semaphore_mem>>) attributes {dimension_semantics = [#tpu.dimension_semantics<core_parallel>, #tpu.dimension_semantics<subcore_parallel>], iteration_bounds = array<i64: 2, 16>, scalar_prefetch = 0 : i64, scratch_operands = 17 : i64, tpu.core_type = #tpu.core_type<sc_vector_subcore>, window_params = [{transform_indices = #map}, {transform_indices = #map}, {transform_indices = #map}, {transform_indices = #map1}]} {
    %mul3A = arith.constant 2 : i32
    %mul3A_0 = arith.muli %arg1, %mul3A : i32
    %add3A = arith.addi %mul3A_0, %arg0 : i32
    %mul3A_1 = arith.constant 64 : i32
    %mul3A_2 = arith.muli %add3A, %mul3A_1 : i32
    %dma_start3A = arith.constant 0 : i32
    %dma_start3A_3 = arith.constant 0 : i32
    %dma_start3A_4 = tpu.memref_slice %arg6[%dma_start3A_3] : memref<256xi32, #tpu.memory_space<vmem>> -> memref<64xi32, #tpu.memory_space<vmem>>
    %dma_start3A_5 = tpu.memref_slice %arg2[%dma_start3A, %mul3A_2] : memref<4x2048xi32, #tpu.memory_space<hbm>> -> memref<1x64xi32, #tpu.memory_space<hbm>>
    %dma_start3A_6 = tpu.memref_squeeze %dma_start3A_5 : memref<1x64xi32, #tpu.memory_space<hbm>> -> memref<64xi32, #tpu.memory_space<hbm>>
    %dma_start3A_7 = arith.constant 0 : i32
    %dma_start3A_8 = tpu.memref_slice %arg6[%dma_start3A_7] : memref<256xi32, #tpu.memory_space<vmem>> -> memref<64xi32, #tpu.memory_space<vmem>>
    %dma_start3A_9 = tpu.memref_slice %arg2[%dma_start3A, %mul3A_2] : memref<4x2048xi32, #tpu.memory_space<hbm>> -> memref<1x64xi32, #tpu.memory_space<hbm>>
    %dma_start3A_10 = tpu.memref_squeeze %dma_start3A_9 : memref<1x64xi32, #tpu.memory_space<hbm>> -> memref<64xi32, #tpu.memory_space<hbm>>
    tpu.enqueue_dma source(%dma_start3A_10 : memref<64xi32, #tpu.memory_space<hbm>>) target(%dma_start3A_8 : memref<64xi32, #tpu.memory_space<vmem>>) target_semaphore(%arg19 : memref<!tpu.dma_semaphore, #tpu.memory_space<semaphore_mem>>)
    %dma_start3A_11 = arith.constant 1 : i32
    %dma_start3A_12 = arith.constant 64 : i32
    %dma_start3A_13 = tpu.memref_slice %arg6[%dma_start3A_12] : memref<256xi32, #tpu.memory_space<vmem>> -> memref<64xi32, #tpu.memory_space<vmem>>
    %dma_start3A_14 = tpu.memref_slice %arg2[%dma_start3A_11, %mul3A_2] : memref<4x2048xi32, #tpu.memory_space<hbm>> -> memref<1x64xi32, #tpu.memory_space<hbm>>
    %dma_start3A_15 = tpu.memref_squeeze %dma_start3A_14 : memref<1x64xi32, #tpu.memory_space<hbm>> -> memref<64xi32, #tpu.memory_space<hbm>>
    %dma_start3A_16 = arith.constant 64 : i32
    %dma_start3A_17 = tpu.memref_slice %arg6[%dma_start3A_16] : memref<256xi32, #tpu.memory_space<vmem>> -> memref<64xi32, #tpu.memory_space<vmem>>
    %dma_start3A_18 = tpu.memref_slice %arg2[%dma_start3A_11, %mul3A_2] : memref<4x2048xi32, #tpu.memory_space<hbm>> -> memref<1x64xi32, #tpu.memory_space<hbm>>
    %dma_start3A_19 = tpu.memref_squeeze %dma_start3A_18 : memref<1x64xi32, #tpu.memory_space<hbm>> -> memref<64xi32, #tpu.memory_space<hbm>>
    tpu.enqueue_dma source(%dma_start3A_19 : memref<64xi32, #tpu.memory_space<hbm>>) target(%dma_start3A_17 : memref<64xi32, #tpu.memory_space<vmem>>) target_semaphore(%arg20 : memref<!tpu.dma_semaphore, #tpu.memory_space<semaphore_mem>>)
    %dma_start3A_20 = arith.constant 2 : i32
    %dma_start3A_21 = arith.constant 128 : i32
    %dma_start3A_22 = tpu.memref_slice %arg6[%dma_start3A_21] : memref<256xi32, #tpu.memory_space<vmem>> -> memref<64xi32, #tpu.memory_space<vmem>>
    %dma_start3A_23 = tpu.memref_slice %arg2[%dma_start3A_20, %mul3A_2] : memref<4x2048xi32, #tpu.memory_space<hbm>> -> memref<1x64xi32, #tpu.memory_space<hbm>>
    %dma_start3A_24 = tpu.memref_squeeze %dma_start3A_23 : memref<1x64xi32, #tpu.memory_space<hbm>> -> memref<64xi32, #tpu.memory_space<hbm>>
    %dma_start3A_25 = arith.constant 128 : i32
    %dma_start3A_26 = tpu.memref_slice %arg6[%dma_start3A_25] : memref<256xi32, #tpu.memory_space<vmem>> -> memref<64xi32, #tpu.memory_space<vmem>>
    %dma_start3A_27 = tpu.memref_slice %arg2[%dma_start3A_20, %mul3A_2] : memref<4x2048xi32, #tpu.memory_space<hbm>> -> memref<1x64xi32, #tpu.memory_space<hbm>>
    %dma_start3A_28 = tpu.memref_squeeze %dma_start3A_27 : memref<1x64xi32, #tpu.memory_space<hbm>> -> memref<64xi32, #tpu.memory_space<hbm>>
    tpu.enqueue_dma source(%dma_start3A_28 : memref<64xi32, #tpu.memory_space<hbm>>) target(%dma_start3A_26 : memref<64xi32, #tpu.memory_space<vmem>>) target_semaphore(%arg21 : memref<!tpu.dma_semaphore, #tpu.memory_space<semaphore_mem>>)
    %dma_start3A_29 = arith.constant 3 : i32
    %dma_start3A_30 = arith.constant 192 : i32
    %dma_start3A_31 = tpu.memref_slice %arg6[%dma_start3A_30] : memref<256xi32, #tpu.memory_space<vmem>> -> memref<64xi32, #tpu.memory_space<vmem>>
    %dma_start3A_32 = tpu.memref_slice %arg2[%dma_start3A_29, %mul3A_2] : memref<4x2048xi32, #tpu.memory_space<hbm>> -> memref<1x64xi32, #tpu.memory_space<hbm>>
    %dma_start3A_33 = tpu.memref_squeeze %dma_start3A_32 : memref<1x64xi32, #tpu.memory_space<hbm>> -> memref<64xi32, #tpu.memory_space<hbm>>
    %dma_start3A_34 = arith.constant 192 : i32
    %dma_start3A_35 = tpu.memref_slice %arg6[%dma_start3A_34] : memref<256xi32, #tpu.memory_space<vmem>> -> memref<64xi32, #tpu.memory_space<vmem>>
    %dma_start3A_36 = tpu.memref_slice %arg2[%dma_start3A_29, %mul3A_2] : memref<4x2048xi32, #tpu.memory_space<hbm>> -> memref<1x64xi32, #tpu.memory_space<hbm>>
    %dma_start3A_37 = tpu.memref_squeeze %dma_start3A_36 : memref<1x64xi32, #tpu.memory_space<hbm>> -> memref<64xi32, #tpu.memory_space<hbm>>
    tpu.enqueue_dma source(%dma_start3A_37 : memref<64xi32, #tpu.memory_space<hbm>>) target(%dma_start3A_35 : memref<64xi32, #tpu.memory_space<vmem>>) target_semaphore(%arg22 : memref<!tpu.dma_semaphore, #tpu.memory_space<semaphore_mem>>)
    %add3A_38 = arith.constant 0 : i32
    %add3A_39 = arith.addi %mul3A_2, %add3A_38 : i32
    %dma_start3A_40 = arith.constant 0 : i32
    %dma_start3A_41 = tpu.memref_slice %arg4[%add3A_39, %dma_start3A_40] : memref<4096x2048xf32, #tpu.memory_space<hbm>> -> memref<8x2048xf32, #tpu.memory_space<hbm>>
    %dma_start3A_42 = arith.constant 0 : i32
    %dma_start3A_43 = tpu.memref_slice %arg4[%add3A_39, %dma_start3A_42] : memref<4096x2048xf32, #tpu.memory_space<hbm>> -> memref<8x2048xf32, #tpu.memory_space<hbm>>
    tpu.enqueue_dma source(%dma_start3A_43 : memref<8x2048xf32, #tpu.memory_space<hbm>>) target(%arg7 : memref<8x2048xf32, #tpu.memory_space<vmem>>) target_semaphore(%arg13 : memref<!tpu.dma_semaphore, #tpu.memory_space<semaphore_mem>>)
    %dma_wait3A = arith.constant 0 : i32
    %dma_wait3A_44 = arith.constant 0 : i32
    %dma_wait3A_45 = tpu.memref_slice %arg6[%dma_wait3A_44] : memref<256xi32, #tpu.memory_space<vmem>> -> memref<64xi32, #tpu.memory_space<vmem>>
    %dma_wait3A_46 = tpu.memref_slice %arg2[%dma_wait3A, %mul3A_2] : memref<4x2048xi32, #tpu.memory_space<hbm>> -> memref<1x64xi32, #tpu.memory_space<hbm>>
    %dma_wait3A_47 = tpu.memref_squeeze %dma_wait3A_46 : memref<1x64xi32, #tpu.memory_space<hbm>> -> memref<64xi32, #tpu.memory_space<hbm>>
    %dma_wait3A_48 = arith.constant 0 : i32
    %dma_wait3A_49 = tpu.memref_slice %arg6[%dma_wait3A_48] : memref<256xi32, #tpu.memory_space<vmem>> -> memref<64xi32, #tpu.memory_space<vmem>>
    %dma_wait3A_50 = tpu.memref_slice %arg2[%dma_wait3A, %mul3A_2] : memref<4x2048xi32, #tpu.memory_space<hbm>> -> memref<1x64xi32, #tpu.memory_space<hbm>>
    %dma_wait3A_51 = tpu.memref_squeeze %dma_wait3A_50 : memref<1x64xi32, #tpu.memory_space<hbm>> -> memref<64xi32, #tpu.memory_space<hbm>>
    tpu.wait_dma2 semaphore(%arg19 : memref<!tpu.dma_semaphore, #tpu.memory_space<semaphore_mem>>) src(%dma_wait3A_51 : memref<64xi32, #tpu.memory_space<hbm>>) dst(%dma_wait3A_49 : memref<64xi32, #tpu.memory_space<vmem>>)
    %dma_start3A_52 = arith.constant 0 : i32
    %dma_start3A_53 = tpu.memref_slice %arg6[%dma_start3A_52] : memref<256xi32, #tpu.memory_space<vmem>> -> memref<8xi32, #tpu.memory_space<vmem>>
    %dma_start3A_54 = arith.constant 0 : i32
    %dma_start3A_55 = arith.constant 0 : i32
    %dma_start3A_56 = tpu.memref_slice %arg3[%dma_start3A_54, %dma_start3A_55] : memref<50257x2048xf32, #tpu.memory_space<hbm>> -> memref<50257x2048xf32, #tpu.memory_space<hbm>>
    tpu.enqueue_indirect_dma source(%dma_start3A_56 : memref<50257x2048xf32, #tpu.memory_space<hbm>>) target(%arg9 : memref<8x2048xf32, #tpu.memory_space<vmem>>) offsets(%dma_start3A_53 : memref<8xi32, #tpu.memory_space<vmem>>) semaphore(%arg15 : memref<!tpu.dma_semaphore, #tpu.memory_space<semaphore_mem>>)
    %dma_wait3A_57 = arith.constant 1 : i32
    %dma_wait3A_58 = arith.constant 64 : i32
    %dma_wait3A_59 = tpu.memref_slice %arg6[%dma_wait3A_58] : memref<256xi32, #tpu.memory_space<vmem>> -> memref<64xi32, #tpu.memory_space<vmem>>
    %dma_wait3A_60 = tpu.memref_slice %arg2[%dma_wait3A_57, %mul3A_2] : memref<4x2048xi32, #tpu.memory_space<hbm>> -> memref<1x64xi32, #tpu.memory_space<hbm>>
    %dma_wait3A_61 = tpu.memref_squeeze %dma_wait3A_60 : memref<1x64xi32, #tpu.memory_space<hbm>> -> memref<64xi32, #tpu.memory_space<hbm>>
    %dma_wait3A_62 = arith.constant 64 : i32
    %dma_wait3A_63 = tpu.memref_slice %arg6[%dma_wait3A_62] : memref<256xi32, #tpu.memory_space<vmem>> -> memref<64xi32, #tpu.memory_space<vmem>>
    %dma_wait3A_64 = tpu.memref_slice %arg2[%dma_wait3A_57, %mul3A_2] : memref<4x2048xi32, #tpu.memory_space<hbm>> -> memref<1x64xi32, #tpu.memory_space<hbm>>
    %dma_wait3A_65 = tpu.memref_squeeze %dma_wait3A_64 : memref<1x64xi32, #tpu.memory_space<hbm>> -> memref<64xi32, #tpu.memory_space<hbm>>
    tpu.wait_dma2 semaphore(%arg20 : memref<!tpu.dma_semaphore, #tpu.memory_space<semaphore_mem>>) src(%dma_wait3A_65 : memref<64xi32, #tpu.memory_space<hbm>>) dst(%dma_wait3A_63 : memref<64xi32, #tpu.memory_space<vmem>>)
    %dma_start3A_66 = arith.constant 64 : i32
    %dma_start3A_67 = tpu.memref_slice %arg6[%dma_start3A_66] : memref<256xi32, #tpu.memory_space<vmem>> -> memref<8xi32, #tpu.memory_space<vmem>>
    %dma_start3A_68 = arith.constant 0 : i32
    %dma_start3A_69 = arith.constant 0 : i32
    %dma_start3A_70 = tpu.memref_slice %arg3[%dma_start3A_68, %dma_start3A_69] : memref<50257x2048xf32, #tpu.memory_space<hbm>> -> memref<50257x2048xf32, #tpu.memory_space<hbm>>
    tpu.enqueue_indirect_dma source(%dma_start3A_70 : memref<50257x2048xf32, #tpu.memory_space<hbm>>) target(%arg10 : memref<8x2048xf32, #tpu.memory_space<vmem>>) offsets(%dma_start3A_67 : memref<8xi32, #tpu.memory_space<vmem>>) semaphore(%arg16 : memref<!tpu.dma_semaphore, #tpu.memory_space<semaphore_mem>>)
    %dma_wait3A_71 = arith.constant 2 : i32
    %dma_wait3A_72 = arith.constant 128 : i32
    %dma_wait3A_73 = tpu.memref_slice %arg6[%dma_wait3A_72] : memref<256xi32, #tpu.memory_space<vmem>> -> memref<64xi32, #tpu.memory_space<vmem>>
    %dma_wait3A_74 = tpu.memref_slice %arg2[%dma_wait3A_71, %mul3A_2] : memref<4x2048xi32, #tpu.memory_space<hbm>> -> memref<1x64xi32, #tpu.memory_space<hbm>>
    %dma_wait3A_75 = tpu.memref_squeeze %dma_wait3A_74 : memref<1x64xi32, #tpu.memory_space<hbm>> -> memref<64xi32, #tpu.memory_space<hbm>>
    %dma_wait3A_76 = arith.constant 128 : i32
    %dma_wait3A_77 = tpu.memref_slice %arg6[%dma_wait3A_76] : memref<256xi32, #tpu.memory_space<vmem>> -> memref<64xi32, #tpu.memory_space<vmem>>
    %dma_wait3A_78 = tpu.memref_slice %arg2[%dma_wait3A_71, %mul3A_2] : memref<4x2048xi32, #tpu.memory_space<hbm>> -> memref<1x64xi32, #tpu.memory_space<hbm>>
    %dma_wait3A_79 = tpu.memref_squeeze %dma_wait3A_78 : memref<1x64xi32, #tpu.memory_space<hbm>> -> memref<64xi32, #tpu.memory_space<hbm>>
    tpu.wait_dma2 semaphore(%arg21 : memref<!tpu.dma_semaphore, #tpu.memory_space<semaphore_mem>>) src(%dma_wait3A_79 : memref<64xi32, #tpu.memory_space<hbm>>) dst(%dma_wait3A_77 : memref<64xi32, #tpu.memory_space<vmem>>)
    %dma_start3A_80 = arith.constant 128 : i32
    %dma_start3A_81 = tpu.memref_slice %arg6[%dma_start3A_80] : memref<256xi32, #tpu.memory_space<vmem>> -> memref<8xi32, #tpu.memory_space<vmem>>
    %dma_start3A_82 = arith.constant 0 : i32
    %dma_start3A_83 = arith.constant 0 : i32
    %dma_start3A_84 = tpu.memref_slice %arg3[%dma_start3A_82, %dma_start3A_83] : memref<50257x2048xf32, #tpu.memory_space<hbm>> -> memref<50257x2048xf32, #tpu.memory_space<hbm>>
    tpu.enqueue_indirect_dma source(%dma_start3A_84 : memref<50257x2048xf32, #tpu.memory_space<hbm>>) target(%arg11 : memref<8x2048xf32, #tpu.memory_space<vmem>>) offsets(%dma_start3A_81 : memref<8xi32, #tpu.memory_space<vmem>>) semaphore(%arg17 : memref<!tpu.dma_semaphore, #tpu.memory_space<semaphore_mem>>)
    %dma_wait3A_85 = arith.constant 3 : i32
    %dma_wait3A_86 = arith.constant 192 : i32
    %dma_wait3A_87 = tpu.memref_slice %arg6[%dma_wait3A_86] : memref<256xi32, #tpu.memory_space<vmem>> -> memref<64xi32, #tpu.memory_space<vmem>>
    %dma_wait3A_88 = tpu.memref_slice %arg2[%dma_wait3A_85, %mul3A_2] : memref<4x2048xi32, #tpu.memory_space<hbm>> -> memref<1x64xi32, #tpu.memory_space<hbm>>
    %dma_wait3A_89 = tpu.memref_squeeze %dma_wait3A_88 : memref<1x64xi32, #tpu.memory_space<hbm>> -> memref<64xi32, #tpu.memory_space<hbm>>
    %dma_wait3A_90 = arith.constant 192 : i32
    %dma_wait3A_91 = tpu.memref_slice %arg6[%dma_wait3A_90] : memref<256xi32, #tpu.memory_space<vmem>> -> memref<64xi32, #tpu.memory_space<vmem>>
    %dma_wait3A_92 = tpu.memref_slice %arg2[%dma_wait3A_85, %mul3A_2] : memref<4x2048xi32, #tpu.memory_space<hbm>> -> memref<1x64xi32, #tpu.memory_space<hbm>>
    %dma_wait3A_93 = tpu.memref_squeeze %dma_wait3A_92 : memref<1x64xi32, #tpu.memory_space<hbm>> -> memref<64xi32, #tpu.memory_space<hbm>>
    tpu.wait_dma2 semaphore(%arg22 : memref<!tpu.dma_semaphore, #tpu.memory_space<semaphore_mem>>) src(%dma_wait3A_93 : memref<64xi32, #tpu.memory_space<hbm>>) dst(%dma_wait3A_91 : memref<64xi32, #tpu.memory_space<vmem>>)
    %scan3A = arith.constant 0 : i32
    %scan3A_94 = arith.constant 0 : i32
    %scan3A_95 = arith.constant 4 : i32
    %scan3A_96 = arith.addi %scan3A_94, %scan3A_95 : i32
    %scan3A_97 = arith.constant 1 : i32
    %scan3A_98 = scf.for %scan3A_136 = %scan3A_94 to %scan3A_96 step %scan3A_97 iter_args(%scan3A_137 = %scan3A) -> (i32)  : i32 {
      %mul3A_138 = arith.constant 2 : i32
      %mul3A_139 = arith.muli %mul3A_138, %scan3A_136 : i32
      %add3A_140 = arith.constant 0 : i32
      %add3A_141 = arith.addi %mul3A_139, %add3A_140 : i32
      %mul3A_142 = arith.constant 2 : i32
      %mul3A_143 = arith.muli %mul3A_142, %scan3A_136 : i32
      %add3A_144 = arith.constant 0 : i32
      %add3A_145 = arith.addi %mul3A_143, %add3A_144 : i32
      %mul3A_146 = arith.constant 4 : i32
      %mul3A_147 = arith.muli %mul3A_146, %add3A_145 : i32
      %add3A_148 = arith.constant 0 : i32
      %add3A_149 = arith.addi %mul3A_147, %add3A_148 : i32
      %add3A_150 = arith.constant 1 : i32
      %add3A_151 = arith.addi %add3A_141, %add3A_150 : i32
      %mul3A_152 = arith.constant 8 : i32
      %mul3A_153 = arith.muli %add3A_151, %mul3A_152 : i32
      %add3A_154 = arith.addi %mul3A_2, %mul3A_153 : i32
      %dma_start3A_155 = arith.constant 0 : i32
      %dma_start3A_156 = tpu.memref_slice %arg4[%add3A_154, %dma_start3A_155] : memref<4096x2048xf32, #tpu.memory_space<hbm>> -> memref<8x2048xf32, #tpu.memory_space<hbm>>
      %dma_start3A_157 = arith.constant 0 : i32
      %dma_start3A_158 = tpu.memref_slice %arg4[%add3A_154, %dma_start3A_157] : memref<4096x2048xf32, #tpu.memory_space<hbm>> -> memref<8x2048xf32, #tpu.memory_space<hbm>>
      tpu.enqueue_dma source(%dma_start3A_158 : memref<8x2048xf32, #tpu.memory_space<hbm>>) target(%arg8 : memref<8x2048xf32, #tpu.memory_space<vmem>>) target_semaphore(%arg14 : memref<!tpu.dma_semaphore, #tpu.memory_space<semaphore_mem>>)
      %mul3A_159 = arith.constant 8 : i32
      %mul3A_160 = arith.muli %add3A_141, %mul3A_159 : i32
      %add3A_161 = arith.addi %mul3A_2, %mul3A_160 : i32
      %dma_wait3A_162 = arith.constant 0 : i32
      %dma_wait3A_163 = tpu.memref_slice %arg4[%add3A_161, %dma_wait3A_162] : memref<4096x2048xf32, #tpu.memory_space<hbm>> -> memref<8x2048xf32, #tpu.memory_space<hbm>>
      %dma_wait3A_164 = arith.constant 0 : i32
      %dma_wait3A_165 = tpu.memref_slice %arg4[%add3A_161, %dma_wait3A_164] : memref<4096x2048xf32, #tpu.memory_space<hbm>> -> memref<8x2048xf32, #tpu.memory_space<hbm>>
      tpu.wait_dma2 semaphore(%arg13 : memref<!tpu.dma_semaphore, #tpu.memory_space<semaphore_mem>>) src(%dma_wait3A_165 : memref<8x2048xf32, #tpu.memory_space<hbm>>) dst(%arg7 : memref<8x2048xf32, #tpu.memory_space<vmem>>)
      %mul3A_166 = arith.constant 8 : i32
      %mul3A_167 = arith.muli %add3A_141, %mul3A_166 : i32
      %add3A_168 = arith.constant 0 : i32
      %add3A_169 = arith.addi %add3A_168, %mul3A_167 : i32
      %dma_wait3A_170 = tpu.memref_slice %arg6[%add3A_169] : memref<256xi32, #tpu.memory_space<vmem>> -> memref<8xi32, #tpu.memory_space<vmem>>
      %dma_wait3A_171 = arith.constant 0 : i32
      %dma_wait3A_172 = arith.constant 0 : i32
      %dma_wait3A_173 = tpu.memref_slice %arg3[%dma_wait3A_171, %dma_wait3A_172] : memref<50257x2048xf32, #tpu.memory_space<hbm>> -> memref<50257x2048xf32, #tpu.memory_space<hbm>>
      tpu.wait_indirect_dma semaphore(%arg15 : memref<!tpu.dma_semaphore, #tpu.memory_space<semaphore_mem>>) src(%dma_wait3A_173 : memref<50257x2048xf32, #tpu.memory_space<hbm>>) dst(%arg9 : memref<8x2048xf32, #tpu.memory_space<vmem>>)
      %scan3A_174 = arith.constant 0 : i32
      %scan3A_175 = arith.constant 0 : i32
      %scan3A_176 = arith.constant 256 : i32
      %scan3A_177 = arith.addi %scan3A_175, %scan3A_176 : i32
      %scan3A_178 = arith.constant 1 : i32
      %scan3A_179 = scf.for %scan3A_538 = %scan3A_175 to %scan3A_177 step %scan3A_178 iter_args(%scan3A_539 = %scan3A_174) -> (i32)  : i32 {
        %jit3A = arith.constant 32 : i32
        %div3A = arith.divsi %scan3A_538, %jit3A : i32
        %sign3A = arith.constant 0 : i32
        %sign3A_540 = arith.cmpi sgt, %scan3A_538, %sign3A : i32
        %sign3A_541 = arith.extui %sign3A_540 : i1 to i32
        %sign3A_542 = arith.constant 0 : i32
        %sign3A_543 = arith.cmpi slt, %scan3A_538, %sign3A_542 : i32
        %sign3A_544 = arith.extui %sign3A_543 : i1 to i32
        %sign3A_545 = arith.subi %sign3A_541, %sign3A_544 : i32
        %sign3A_546 = arith.constant 0 : i32
        %sign3A_547 = arith.cmpi sgt, %jit3A, %sign3A_546 : i32
        %sign3A_548 = arith.extui %sign3A_547 : i1 to i32
        %sign3A_549 = arith.constant 0 : i32
        %sign3A_550 = arith.cmpi slt, %jit3A, %sign3A_549 : i32
        %sign3A_551 = arith.extui %sign3A_550 : i1 to i32
        %sign3A_552 = arith.subi %sign3A_548, %sign3A_551 : i32
        %ne3A = arith.cmpi ne, %sign3A_545, %sign3A_552 : i32
        %rem3A = arith.remsi %scan3A_538, %jit3A : i32
        %ne3A_553 = arith.constant 0 : i32
        %ne3A_554 = arith.cmpi ne, %rem3A, %ne3A_553 : i32
        %and3A = arith.andi %ne3A, %ne3A_554 : i1
        %sub3A_555 = arith.constant 1 : i32
        %sub3A_556 = arith.subi %div3A, %sub3A_555 : i32
        %select_n3A = arith.select %and3A, %sub3A_556, %div3A : i32
        %jit3A_557 = arith.constant 32 : i32
        %eq3A = arith.constant 0 : i32
        %eq3A_558 = arith.cmpi eq, %jit3A_557, %eq3A : i32
        %jit3A_559 = arith.constant 1 : i32
        %select_n3A_560 = arith.select %eq3A_558, %jit3A_559, %jit3A_557 : i32
        %rem3A_561 = arith.remsi %scan3A_538, %select_n3A_560 : i32
        %ne3A_562 = arith.constant 0 : i32
        %ne3A_563 = arith.cmpi ne, %rem3A_561, %ne3A_562 : i32
        %lt3A_564 = arith.constant 0 : i32
        %lt3A_565 = arith.cmpi slt, %rem3A_561, %lt3A_564 : i32
        %lt3A_566 = arith.constant 0 : i32
        %lt3A_567 = arith.cmpi slt, %select_n3A_560, %lt3A_566 : i32
        %ne3A_568 = arith.xori %lt3A_565, %lt3A_567 : i1
        %and3A_569 = arith.andi %ne3A_568, %ne3A_563 : i1
        %add3A_570 = arith.addi %rem3A_561, %select_n3A_560 : i32
        %select_n3A_571 = arith.select %and3A_569, %add3A_570, %rem3A_561 : i32
        %mul3A_572 = arith.constant 64 : i32
        %mul3A_573 = arith.muli %select_n3A_571, %mul3A_572 : i32
        %add3A_574 = arith.constant 0 : i32
        %add3A_575 = arith.addi %mul3A_573, %add3A_574 : i32
        %get3A = arith.index_cast %select_n3A : i32 to index
        %get3A_576 = arith.index_cast %add3A_575 : i32 to index
        %get3A_577 = tpu.vector_load %arg7[%get3A, %get3A_576] {strides = array<i32>} : memref<8x2048xf32, #tpu.memory_space<vmem>>, vector<1x16xf32>,
        %get3A_578 = vector.shape_cast %get3A_577 : vector<1x16xf32> to vector<16xf32>
        %swap3A = arith.index_cast %select_n3A : i32 to index
        %swap3A_579 = arith.index_cast %add3A_575 : i32 to index
        %swap3A_580 = tpu.vector_load %arg9[%swap3A, %swap3A_579] {strides = array<i32>} : memref<8x2048xf32, #tpu.memory_space<vmem>>, vector<1x16xf32>,
        %swap3A_581 = vector.shape_cast %swap3A_580 : vector<1x16xf32> to vector<16xf32>
        %swap3A_582 = vector.shape_cast %get3A_578 : vector<16xf32> to vector<1x16xf32>
        tpu.vector_store %arg9[%swap3A, %swap3A_579], %swap3A_582 {add = true, strides = array<i32>} : memref<8x2048xf32, #tpu.memory_space<vmem>>, vector<1x16xf32>,
        %add3A_583 = arith.constant 16 : i32
        %add3A_584 = arith.addi %mul3A_573, %add3A_583 : i32
        %get3A_585 = arith.index_cast %select_n3A : i32 to index
        %get3A_586 = arith.index_cast %add3A_584 : i32 to index
        %get3A_587 = tpu.vector_load %arg7[%get3A_585, %get3A_586] {strides = array<i32>} : memref<8x2048xf32, #tpu.memory_space<vmem>>, vector<1x16xf32>,
        %get3A_588 = vector.shape_cast %get3A_587 : vector<1x16xf32> to vector<16xf32>
        %swap3A_589 = arith.index_cast %select_n3A : i32 to index
        %swap3A_590 = arith.index_cast %add3A_584 : i32 to index
        %swap3A_591 = tpu.vector_load %arg9[%swap3A_589, %swap3A_590] {strides = array<i32>} : memref<8x2048xf32, #tpu.memory_space<vmem>>, vector<1x16xf32>,
        %swap3A_592 = vector.shape_cast %swap3A_591 : vector<1x16xf32> to vector<16xf32>
        %swap3A_593 = vector.shape_cast %get3A_588 : vector<16xf32> to vector<1x16xf32>
        tpu.vector_store %arg9[%swap3A_589, %swap3A_590], %swap3A_593 {add = true, strides = array<i32>} : memref<8x2048xf32, #tpu.memory_space<vmem>>, vector<1x16xf32>,
        %add3A_594 = arith.constant 32 : i32
        %add3A_595 = arith.addi %mul3A_573, %add3A_594 : i32
        %get3A_596 = arith.index_cast %select_n3A : i32 to index
        %get3A_597 = arith.index_cast %add3A_595 : i32 to index
        %get3A_598 = tpu.vector_load %arg7[%get3A_596, %get3A_597] {strides = array<i32>} : memref<8x2048xf32, #tpu.memory_space<vmem>>, vector<1x16xf32>,
        %get3A_599 = vector.shape_cast %get3A_598 : vector<1x16xf32> to vector<16xf32>
        %swap3A_600 = arith.index_cast %select_n3A : i32 to index
        %swap3A_601 = arith.index_cast %add3A_595 : i32 to index
        %swap3A_602 = tpu.vector_load %arg9[%swap3A_600, %swap3A_601] {strides = array<i32>} : memref<8x2048xf32, #tpu.memory_space<vmem>>, vector<1x16xf32>,
        %swap3A_603 = vector.shape_cast %swap3A_602 : vector<1x16xf32> to vector<16xf32>
        %swap3A_604 = vector.shape_cast %get3A_599 : vector<16xf32> to vector<1x16xf32>
        tpu.vector_store %arg9[%swap3A_600, %swap3A_601], %swap3A_604 {add = true, strides = array<i32>} : memref<8x2048xf32, #tpu.memory_space<vmem>>, vector<1x16xf32>,
        %add3A_605 = arith.constant 48 : i32
        %add3A_606 = arith.addi %mul3A_573, %add3A_605 : i32
        %get3A_607 = arith.index_cast %select_n3A : i32 to index
        %get3A_608 = arith.index_cast %add3A_606 : i32 to index
        %get3A_609 = tpu.vector_load %arg7[%get3A_607, %get3A_608] {strides = array<i32>} : memref<8x2048xf32, #tpu.memory_space<vmem>>, vector<1x16xf32>,
        %get3A_610 = vector.shape_cast %get3A_609 : vector<1x16xf32> to vector<16xf32>
        %swap3A_611 = arith.index_cast %select_n3A : i32 to index
        %swap3A_612 = arith.index_cast %add3A_606 : i32 to index
        %swap3A_613 = tpu.vector_load %arg9[%swap3A_611, %swap3A_612] {strides = array<i32>} : memref<8x2048xf32, #tpu.memory_space<vmem>>, vector<1x16xf32>,
        %swap3A_614 = vector.shape_cast %swap3A_613 : vector<1x16xf32> to vector<16xf32>
        %swap3A_615 = vector.shape_cast %get3A_610 : vector<16xf32> to vector<1x16xf32>
        tpu.vector_store %arg9[%swap3A_611, %swap3A_612], %swap3A_615 {add = true, strides = array<i32>} : memref<8x2048xf32, #tpu.memory_space<vmem>>, vector<1x16xf32>,
        %scan3A_616 = arith.constant 0 : i32
        scf.yield %scan3A_616 : i32
      }
      %scan3A_180 = arith.constant 256 : i32
      %mul3A_181 = arith.constant 8 : i32
      %mul3A_182 = arith.muli %add3A_141, %mul3A_181 : i32
      %add3A_183 = arith.addi %mul3A_2, %mul3A_182 : i32
      %dma_start3A_184 = arith.constant 0 : i32
      %dma_start3A_185 = arith.constant 0 : i32
      %dma_start3A_186 = tpu.memref_slice %arg5[%dma_start3A_184, %add3A_183, %dma_start3A_185] : memref<4x2048x2048xf32, #tpu.memory_space<hbm>> -> memref<1x8x2048xf32, #tpu.memory_space<hbm>>
      %dma_start3A_187 = tpu.memref_squeeze %dma_start3A_186 : memref<1x8x2048xf32, #tpu.memory_space<hbm>> -> memref<8x2048xf32, #tpu.memory_space<hbm>>
      %dma_start3A_188 = arith.constant 0 : i32
      %dma_start3A_189 = tpu.memref_slice %arg5[%dma_start3A_184, %add3A_183, %dma_start3A_188] : memref<4x2048x2048xf32, #tpu.memory_space<hbm>> -> memref<1x8x2048xf32, #tpu.memory_space<hbm>>
      %dma_start3A_190 = tpu.memref_squeeze %dma_start3A_189 : memref<1x8x2048xf32, #tpu.memory_space<hbm>> -> memref<8x2048xf32, #tpu.memory_space<hbm>>
      tpu.enqueue_dma source(%arg9 : memref<8x2048xf32, #tpu.memory_space<vmem>>) target(%dma_start3A_190 : memref<8x2048xf32, #tpu.memory_space<hbm>>) target_semaphore(%arg19 : memref<!tpu.dma_semaphore, #tpu.memory_space<semaphore_mem>>)
      %ge3A = arith.constant 1 : i32
      %ge3A_191 = arith.cmpi sge, %add3A_149, %ge3A : i32
      %convert_element_type3A = arith.extui %ge3A_191 : i1 to i32
      %cond3A = arith.constant 0 : i32
      %cond3A_192 = arith.cmpi ne, %convert_element_type3A, %cond3A : i32
      scf.if %cond3A_192 {
        %sub3A_538 = arith.constant 1 : i32
        %sub3A_539 = arith.subi %add3A_141, %sub3A_538 : i32
        %mul3A_540 = arith.constant 8 : i32
        %mul3A_541 = arith.muli %sub3A_539, %mul3A_540 : i32
        %add3A_542 = arith.addi %mul3A_2, %mul3A_541 : i32
        %dma_wait3A_543 = arith.constant 3 : i32
        %dma_wait3A_544 = arith.constant 0 : i32
        %dma_wait3A_545 = tpu.memref_slice %arg5[%dma_wait3A_543, %add3A_542, %dma_wait3A_544] : memref<4x2048x2048xf32, #tpu.memory_space<hbm>> -> memref<1x8x2048xf32, #tpu.memory_space<hbm>>
        %dma_wait3A_546 = tpu.memref_squeeze %dma_wait3A_545 : memref<1x8x2048xf32, #tpu.memory_space<hbm>> -> memref<8x2048xf32, #tpu.memory_space<hbm>>
        %dma_wait3A_547 = arith.constant 0 : i32
        %dma_wait3A_548 = tpu.memref_slice %arg5[%dma_wait3A_543, %add3A_542, %dma_wait3A_547] : memref<4x2048x2048xf32, #tpu.memory_space<hbm>> -> memref<1x8x2048xf32, #tpu.memory_space<hbm>>
        %dma_wait3A_549 = tpu.memref_squeeze %dma_wait3A_548 : memref<1x8x2048xf32, #tpu.memory_space<hbm>> -> memref<8x2048xf32, #tpu.memory_space<hbm>>
        tpu.wait_dma2 semaphore(%arg22 : memref<!tpu.dma_semaphore, #tpu.memory_space<semaphore_mem>>) src(%arg12 : memref<8x2048xf32, #tpu.memory_space<vmem>>) dst(%dma_wait3A_549 : memref<8x2048xf32, #tpu.memory_space<hbm>>)
      } else {
      }
      %mul3A_193 = arith.constant 2 : i32
      %mul3A_194 = arith.muli %mul3A_193, %scan3A_136 : i32
      %add3A_195 = arith.constant 0 : i32
      %add3A_196 = arith.addi %mul3A_194, %add3A_195 : i32
      %mul3A_197 = arith.constant 8 : i32
      %mul3A_198 = arith.muli %add3A_196, %mul3A_197 : i32
      %add3A_199 = arith.constant 192 : i32
      %add3A_200 = arith.addi %add3A_199, %mul3A_198 : i32
      %dma_start3A_201 = tpu.memref_slice %arg6[%add3A_200] : memref<256xi32, #tpu.memory_space<vmem>> -> memref<8xi32, #tpu.memory_space<vmem>>
      %dma_start3A_202 = arith.constant 0 : i32
      %dma_start3A_203 = arith.constant 0 : i32
      %dma_start3A_204 = tpu.memref_slice %arg3[%dma_start3A_202, %dma_start3A_203] : memref<50257x2048xf32, #tpu.memory_space<hbm>> -> memref<50257x2048xf32, #tpu.memory_space<hbm>>
      tpu.enqueue_indirect_dma source(%dma_start3A_204 : memref<50257x2048xf32, #tpu.memory_space<hbm>>) target(%arg12 : memref<8x2048xf32, #tpu.memory_space<vmem>>) offsets(%dma_start3A_201 : memref<8xi32, #tpu.memory_space<vmem>>) semaphore(%arg18 : memref<!tpu.dma_semaphore, #tpu.memory_space<semaphore_mem>>)
      %mul3A_205 = arith.constant 2 : i32
      %mul3A_206 = arith.muli %mul3A_205, %scan3A_136 : i32
      %add3A_207 = arith.constant 0 : i32
      %add3A_208 = arith.addi %mul3A_206, %add3A_207 : i32
      %mul3A_209 = arith.constant 4 : i32
      %mul3A_210 = arith.muli %mul3A_209, %add3A_208 : i32
      %add3A_211 = arith.constant 1 : i32
      %add3A_212 = arith.addi %mul3A_210, %add3A_211 : i32
      %mul3A_213 = arith.constant 8 : i32
      %mul3A_214 = arith.muli %add3A_141, %mul3A_213 : i32
      %add3A_215 = arith.constant 64 : i32
      %add3A_216 = arith.addi %add3A_215, %mul3A_214 : i32
      %dma_wait3A_217 = tpu.memref_slice %arg6[%add3A_216] : memref<256xi32, #tpu.memory_space<vmem>> -> memref<8xi32, #tpu.memory_space<vmem>>
      %dma_wait3A_218 = arith.constant 0 : i32
      %dma_wait3A_219 = arith.constant 0 : i32
      %dma_wait3A_220 = tpu.memref_slice %arg3[%dma_wait3A_218, %dma_wait3A_219] : memref<50257x2048xf32, #tpu.memory_space<hbm>> -> memref<50257x2048xf32, #tpu.memory_space<hbm>>
      tpu.wait_indirect_dma semaphore(%arg16 : memref<!tpu.dma_semaphore, #tpu.memory_space<semaphore_mem>>) src(%dma_wait3A_220 : memref<50257x2048xf32, #tpu.memory_space<hbm>>) dst(%arg10 : memref<8x2048xf32, #tpu.memory_space<vmem>>)
      %scan3A_221 = arith.constant 0 : i32
      %scan3A_222 = arith.constant 0 : i32
      %scan3A_223 = arith.constant 256 : i32
      %scan3A_224 = arith.addi %scan3A_222, %scan3A_223 : i32
      %scan3A_225 = arith.constant 1 : i32
      %scan3A_226 = scf.for %scan3A_538 = %scan3A_222 to %scan3A_224 step %scan3A_225 iter_args(%scan3A_539 = %scan3A_221) -> (i32)  : i32 {
        %jit3A = arith.constant 32 : i32
        %div3A = arith.divsi %scan3A_538, %jit3A : i32
        %sign3A = arith.constant 0 : i32
        %sign3A_540 = arith.cmpi sgt, %scan3A_538, %sign3A : i32
        %sign3A_541 = arith.extui %sign3A_540 : i1 to i32
        %sign3A_542 = arith.constant 0 : i32
        %sign3A_543 = arith.cmpi slt, %scan3A_538, %sign3A_542 : i32
        %sign3A_544 = arith.extui %sign3A_543 : i1 to i32
        %sign3A_545 = arith.subi %sign3A_541, %sign3A_544 : i32
        %sign3A_546 = arith.constant 0 : i32
        %sign3A_547 = arith.cmpi sgt, %jit3A, %sign3A_546 : i32
        %sign3A_548 = arith.extui %sign3A_547 : i1 to i32
        %sign3A_549 = arith.constant 0 : i32
        %sign3A_550 = arith.cmpi slt, %jit3A, %sign3A_549 : i32
        %sign3A_551 = arith.extui %sign3A_550 : i1 to i32
        %sign3A_552 = arith.subi %sign3A_548, %sign3A_551 : i32
        %ne3A = arith.cmpi ne, %sign3A_545, %sign3A_552 : i32
        %rem3A = arith.remsi %scan3A_538, %jit3A : i32
        %ne3A_553 = arith.constant 0 : i32
        %ne3A_554 = arith.cmpi ne, %rem3A, %ne3A_553 : i32
        %and3A = arith.andi %ne3A, %ne3A_554 : i1
        %sub3A_555 = arith.constant 1 : i32
        %sub3A_556 = arith.subi %div3A, %sub3A_555 : i32
        %select_n3A = arith.select %and3A, %sub3A_556, %div3A : i32
        %jit3A_557 = arith.constant 32 : i32
        %eq3A = arith.constant 0 : i32
        %eq3A_558 = arith.cmpi eq, %jit3A_557, %eq3A : i32
        %jit3A_559 = arith.constant 1 : i32
        %select_n3A_560 = arith.select %eq3A_558, %jit3A_559, %jit3A_557 : i32
        %rem3A_561 = arith.remsi %scan3A_538, %select_n3A_560 : i32
        %ne3A_562 = arith.constant 0 : i32
        %ne3A_563 = arith.cmpi ne, %rem3A_561, %ne3A_562 : i32
        %lt3A_564 = arith.constant 0 : i32
        %lt3A_565 = arith.cmpi slt, %rem3A_561, %lt3A_564 : i32
        %lt3A_566 = arith.constant 0 : i32
        %lt3A_567 = arith.cmpi slt, %select_n3A_560, %lt3A_566 : i32
        %ne3A_568 = arith.xori %lt3A_565, %lt3A_567 : i1
        %and3A_569 = arith.andi %ne3A_568, %ne3A_563 : i1
        %add3A_570 = arith.addi %rem3A_561, %select_n3A_560 : i32
        %select_n3A_571 = arith.select %and3A_569, %add3A_570, %rem3A_561 : i32
        %mul3A_572 = arith.constant 64 : i32
        %mul3A_573 = arith.muli %select_n3A_571, %mul3A_572 : i32
        %add3A_574 = arith.constant 0 : i32
        %add3A_575 = arith.addi %mul3A_573, %add3A_574 : i32
        %get3A = arith.index_cast %select_n3A : i32 to index
        %get3A_576 = arith.index_cast %add3A_575 : i32 to index
        %get3A_577 = tpu.vector_load %arg7[%get3A, %get3A_576] {strides = array<i32>} : memref<8x2048xf32, #tpu.memory_space<vmem>>, vector<1x16xf32>,
        %get3A_578 = vector.shape_cast %get3A_577 : vector<1x16xf32> to vector<16xf32>
        %swap3A = arith.index_cast %select_n3A : i32 to index
        %swap3A_579 = arith.index_cast %add3A_575 : i32 to index
        %swap3A_580 = tpu.vector_load %arg10[%swap3A, %swap3A_579] {strides = array<i32>} : memref<8x2048xf32, #tpu.memory_space<vmem>>, vector<1x16xf32>,
        %swap3A_581 = vector.shape_cast %swap3A_580 : vector<1x16xf32> to vector<16xf32>
        %swap3A_582 = vector.shape_cast %get3A_578 : vector<16xf32> to vector<1x16xf32>
        tpu.vector_store %arg10[%swap3A, %swap3A_579], %swap3A_582 {add = true, strides = array<i32>} : memref<8x2048xf32, #tpu.memory_space<vmem>>, vector<1x16xf32>,
        %add3A_583 = arith.constant 16 : i32
        %add3A_584 = arith.addi %mul3A_573, %add3A_583 : i32
        %get3A_585 = arith.index_cast %select_n3A : i32 to index
        %get3A_586 = arith.index_cast %add3A_584 : i32 to index
        %get3A_587 = tpu.vector_load %arg7[%get3A_585, %get3A_586] {strides = array<i32>} : memref<8x2048xf32, #tpu.memory_space<vmem>>, vector<1x16xf32>,
        %get3A_588 = vector.shape_cast %get3A_587 : vector<1x16xf32> to vector<16xf32>
        %swap3A_589 = arith.index_cast %select_n3A : i32 to index
        %swap3A_590 = arith.index_cast %add3A_584 : i32 to index
        %swap3A_591 = tpu.vector_load %arg10[%swap3A_589, %swap3A_590] {strides = array<i32>} : memref<8x2048xf32, #tpu.memory_space<vmem>>, vector<1x16xf32>,
        %swap3A_592 = vector.shape_cast %swap3A_591 : vector<1x16xf32> to vector<16xf32>
        %swap3A_593 = vector.shape_cast %get3A_588 : vector<16xf32> to vector<1x16xf32>
        tpu.vector_store %arg10[%swap3A_589, %swap3A_590], %swap3A_593 {add = true, strides = array<i32>} : memref<8x2048xf32, #tpu.memory_space<vmem>>, vector<1x16xf32>,
        %add3A_594 = arith.constant 32 : i32
        %add3A_595 = arith.addi %mul3A_573, %add3A_594 : i32
        %get3A_596 = arith.index_cast %select_n3A : i32 to index
        %get3A_597 = arith.index_cast %add3A_595 : i32 to index
        %get3A_598 = tpu.vector_load %arg7[%get3A_596, %get3A_597] {strides = array<i32>} : memref<8x2048xf32, #tpu.memory_space<vmem>>, vector<1x16xf32>,
        %get3A_599 = vector.shape_cast %get3A_598 : vector<1x16xf32> to vector<16xf32>
        %swap3A_600 = arith.index_cast %select_n3A : i32 to index
        %swap3A_601 = arith.index_cast %add3A_595 : i32 to index
        %swap3A_602 = tpu.vector_load %arg10[%swap3A_600, %swap3A_601] {strides = array<i32>} : memref<8x2048xf32, #tpu.memory_space<vmem>>, vector<1x16xf32>,
        %swap3A_603 = vector.shape_cast %swap3A_602 : vector<1x16xf32> to vector<16xf32>
        %swap3A_604 = vector.shape_cast %get3A_599 : vector<16xf32> to vector<1x16xf32>
        tpu.vector_store %arg10[%swap3A_600, %swap3A_601], %swap3A_604 {add = true, strides = array<i32>} : memref<8x2048xf32, #tpu.memory_space<vmem>>, vector<1x16xf32>,
        %add3A_605 = arith.constant 48 : i32
        %add3A_606 = arith.addi %mul3A_573, %add3A_605 : i32
        %get3A_607 = arith.index_cast %select_n3A : i32 to index
        %get3A_608 = arith.index_cast %add3A_606 : i32 to index
        %get3A_609 = tpu.vector_load %arg7[%get3A_607, %get3A_608] {strides = array<i32>} : memref<8x2048xf32, #tpu.memory_space<vmem>>, vector<1x16xf32>,
        %get3A_610 = vector.shape_cast %get3A_609 : vector<1x16xf32> to vector<16xf32>
        %swap3A_611 = arith.index_cast %select_n3A : i32 to index
        %swap3A_612 = arith.index_cast %add3A_606 : i32 to index
        %swap3A_613 = tpu.vector_load %arg10[%swap3A_611, %swap3A_612] {strides = array<i32>} : memref<8x2048xf32, #tpu.memory_space<vmem>>, vector<1x16xf32>,
        %swap3A_614 = vector.shape_cast %swap3A_613 : vector<1x16xf32> to vector<16xf32>
        %swap3A_615 = vector.shape_cast %get3A_610 : vector<16xf32> to vector<1x16xf32>
        tpu.vector_store %arg10[%swap3A_611, %swap3A_612], %swap3A_615 {add = true, strides = array<i32>} : memref<8x2048xf32, #tpu.memory_space<vmem>>, vector<1x16xf32>,
        %scan3A_616 = arith.constant 0 : i32
        scf.yield %scan3A_616 : i32
      }
      %scan3A_227 = arith.constant 256 : i32
      %mul3A_228 = arith.constant 8 : i32
      %mul3A_229 = arith.muli %add3A_141, %mul3A_228 : i32
      %add3A_230 = arith.addi %mul3A_2, %mul3A_229 : i32
      %dma_start3A_231 = arith.constant 1 : i32
      %dma_start3A_232 = arith.constant 0 : i32
      %dma_start3A_233 = tpu.memref_slice %arg5[%dma_start3A_231, %add3A_230, %dma_start3A_232] : memref<4x2048x2048xf32, #tpu.memory_space<hbm>> -> memref<1x8x2048xf32, #tpu.memory_space<hbm>>
      %dma_start3A_234 = tpu.memref_squeeze %dma_start3A_233 : memref<1x8x2048xf32, #tpu.memory_space<hbm>> -> memref<8x2048xf32, #tpu.memory_space<hbm>>
      %dma_start3A_235 = arith.constant 0 : i32
      %dma_start3A_236 = tpu.memref_slice %arg5[%dma_start3A_231, %add3A_230, %dma_start3A_235] : memref<4x2048x2048xf32, #tpu.memory_space<hbm>> -> memref<1x8x2048xf32, #tpu.memory_space<hbm>>
      %dma_start3A_237 = tpu.memref_squeeze %dma_start3A_236 : memref<1x8x2048xf32, #tpu.memory_space<hbm>> -> memref<8x2048xf32, #tpu.memory_space<hbm>>
      tpu.enqueue_dma source(%arg10 : memref<8x2048xf32, #tpu.memory_space<vmem>>) target(%dma_start3A_237 : memref<8x2048xf32, #tpu.memory_space<hbm>>) target_semaphore(%arg20 : memref<!tpu.dma_semaphore, #tpu.memory_space<semaphore_mem>>)
      %ge3A_238 = arith.constant 1 : i32
      %ge3A_239 = arith.cmpi sge, %add3A_212, %ge3A_238 : i32
      %convert_element_type3A_240 = arith.extui %ge3A_239 : i1 to i32
      %cond3A_241 = arith.constant 0 : i32
      %cond3A_242 = arith.cmpi ne, %convert_element_type3A_240, %cond3A_241 : i32
      scf.if %cond3A_242 {
        %mul3A_538 = arith.constant 8 : i32
        %mul3A_539 = arith.muli %add3A_141, %mul3A_538 : i32
        %add3A_540 = arith.addi %mul3A_2, %mul3A_539 : i32
        %dma_wait3A_541 = arith.constant 0 : i32
        %dma_wait3A_542 = arith.constant 0 : i32
        %dma_wait3A_543 = tpu.memref_slice %arg5[%dma_wait3A_541, %add3A_540, %dma_wait3A_542] : memref<4x2048x2048xf32, #tpu.memory_space<hbm>> -> memref<1x8x2048xf32, #tpu.memory_space<hbm>>
        %dma_wait3A_544 = tpu.memref_squeeze %dma_wait3A_543 : memref<1x8x2048xf32, #tpu.memory_space<hbm>> -> memref<8x2048xf32, #tpu.memory_space<hbm>>
        %dma_wait3A_545 = arith.constant 0 : i32
        %dma_wait3A_546 = tpu.memref_slice %arg5[%dma_wait3A_541, %add3A_540, %dma_wait3A_545] : memref<4x2048x2048xf32, #tpu.memory_space<hbm>> -> memref<1x8x2048xf32, #tpu.memory_space<hbm>>
        %dma_wait3A_547 = tpu.memref_squeeze %dma_wait3A_546 : memref<1x8x2048xf32, #tpu.memory_space<hbm>> -> memref<8x2048xf32, #tpu.memory_space<hbm>>
        tpu.wait_dma2 semaphore(%arg19 : memref<!tpu.dma_semaphore, #tpu.memory_space<semaphore_mem>>) src(%arg9 : memref<8x2048xf32, #tpu.memory_space<vmem>>) dst(%dma_wait3A_547 : memref<8x2048xf32, #tpu.memory_space<hbm>>)
      } else {
      }
      %mul3A_243 = arith.constant 2 : i32
      %mul3A_244 = arith.muli %mul3A_243, %scan3A_136 : i32
      %add3A_245 = arith.constant 1 : i32
      %add3A_246 = arith.addi %mul3A_244, %add3A_245 : i32
      %mul3A_247 = arith.constant 8 : i32
      %mul3A_248 = arith.muli %add3A_246, %mul3A_247 : i32
      %add3A_249 = arith.constant 0 : i32
      %add3A_250 = arith.addi %add3A_249, %mul3A_248 : i32
      %dma_start3A_251 = tpu.memref_slice %arg6[%add3A_250] : memref<256xi32, #tpu.memory_space<vmem>> -> memref<8xi32, #tpu.memory_space<vmem>>
      %dma_start3A_252 = arith.constant 0 : i32
      %dma_start3A_253 = arith.constant 0 : i32
      %dma_start3A_254 = tpu.memref_slice %arg3[%dma_start3A_252, %dma_start3A_253] : memref<50257x2048xf32, #tpu.memory_space<hbm>> -> memref<50257x2048xf32, #tpu.memory_space<hbm>>
      tpu.enqueue_indirect_dma source(%dma_start3A_254 : memref<50257x2048xf32, #tpu.memory_space<hbm>>) target(%arg9 : memref<8x2048xf32, #tpu.memory_space<vmem>>) offsets(%dma_start3A_251 : memref<8xi32, #tpu.memory_space<vmem>>) semaphore(%arg15 : memref<!tpu.dma_semaphore, #tpu.memory_space<semaphore_mem>>)
      %mul3A_255 = arith.constant 2 : i32
      %mul3A_256 = arith.muli %mul3A_255, %scan3A_136 : i32
      %add3A_257 = arith.constant 0 : i32
      %add3A_258 = arith.addi %mul3A_256, %add3A_257 : i32
      %mul3A_259 = arith.constant 4 : i32
      %mul3A_260 = arith.muli %mul3A_259, %add3A_258 : i32
      %add3A_261 = arith.constant 2 : i32
      %add3A_262 = arith.addi %mul3A_260, %add3A_261 : i32
      %mul3A_263 = arith.constant 8 : i32
      %mul3A_264 = arith.muli %add3A_141, %mul3A_263 : i32
      %add3A_265 = arith.constant 128 : i32
      %add3A_266 = arith.addi %add3A_265, %mul3A_264 : i32
      %dma_wait3A_267 = tpu.memref_slice %arg6[%add3A_266] : memref<256xi32, #tpu.memory_space<vmem>> -> memref<8xi32, #tpu.memory_space<vmem>>
      %dma_wait3A_268 = arith.constant 0 : i32
      %dma_wait3A_269 = arith.constant 0 : i32
      %dma_wait3A_270 = tpu.memref_slice %arg3[%dma_wait3A_268, %dma_wait3A_269] : memref<50257x2048xf32, #tpu.memory_space<hbm>> -> memref<50257x2048xf32, #tpu.memory_space<hbm>>
      tpu.wait_indirect_dma semaphore(%arg17 : memref<!tpu.dma_semaphore, #tpu.memory_space<semaphore_mem>>) src(%dma_wait3A_270 : memref<50257x2048xf32, #tpu.memory_space<hbm>>) dst(%arg11 : memref<8x2048xf32, #tpu.memory_space<vmem>>)
      %scan3A_271 = arith.constant 0 : i32
      %scan3A_272 = arith.constant 0 : i32
      %scan3A_273 = arith.constant 256 : i32
      %scan3A_274 = arith.addi %scan3A_272, %scan3A_273 : i32
      %scan3A_275 = arith.constant 1 : i32
      %scan3A_276 = scf.for %scan3A_538 = %scan3A_272 to %scan3A_274 step %scan3A_275 iter_args(%scan3A_539 = %scan3A_271) -> (i32)  : i32 {
        %jit3A = arith.constant 32 : i32
        %div3A = arith.divsi %scan3A_538, %jit3A : i32
        %sign3A = arith.constant 0 : i32
        %sign3A_540 = arith.cmpi sgt, %scan3A_538, %sign3A : i32
        %sign3A_541 = arith.extui %sign3A_540 : i1 to i32
        %sign3A_542 = arith.constant 0 : i32
        %sign3A_543 = arith.cmpi slt, %scan3A_538, %sign3A_542 : i32
        %sign3A_544 = arith.extui %sign3A_543 : i1 to i32
        %sign3A_545 = arith.subi %sign3A_541, %sign3A_544 : i32
        %sign3A_546 = arith.constant 0 : i32
        %sign3A_547 = arith.cmpi sgt, %jit3A, %sign3A_546 : i32
        %sign3A_548 = arith.extui %sign3A_547 : i1 to i32
        %sign3A_549 = arith.constant 0 : i32
        %sign3A_550 = arith.cmpi slt, %jit3A, %sign3A_549 : i32
        %sign3A_551 = arith.extui %sign3A_550 : i1 to i32
        %sign3A_552 = arith.subi %sign3A_548, %sign3A_551 : i32
        %ne3A = arith.cmpi ne, %sign3A_545, %sign3A_552 : i32
        %rem3A = arith.remsi %scan3A_538, %jit3A : i32
        %ne3A_553 = arith.constant 0 : i32
        %ne3A_554 = arith.cmpi ne, %rem3A, %ne3A_553 : i32
        %and3A = arith.andi %ne3A, %ne3A_554 : i1
        %sub3A_555 = arith.constant 1 : i32
        %sub3A_556 = arith.subi %div3A, %sub3A_555 : i32
        %select_n3A = arith.select %and3A, %sub3A_556, %div3A : i32
        %jit3A_557 = arith.constant 32 : i32
        %eq3A = arith.constant 0 : i32
        %eq3A_558 = arith.cmpi eq, %jit3A_557, %eq3A : i32
        %jit3A_559 = arith.constant 1 : i32
        %select_n3A_560 = arith.select %eq3A_558, %jit3A_559, %jit3A_557 : i32
        %rem3A_561 = arith.remsi %scan3A_538, %select_n3A_560 : i32
        %ne3A_562 = arith.constant 0 : i32
        %ne3A_563 = arith.cmpi ne, %rem3A_561, %ne3A_562 : i32
        %lt3A_564 = arith.constant 0 : i32
        %lt3A_565 = arith.cmpi slt, %rem3A_561, %lt3A_564 : i32
        %lt3A_566 = arith.constant 0 : i32
        %lt3A_567 = arith.cmpi slt, %select_n3A_560, %lt3A_566 : i32
        %ne3A_568 = arith.xori %lt3A_565, %lt3A_567 : i1
        %and3A_569 = arith.andi %ne3A_568, %ne3A_563 : i1
        %add3A_570 = arith.addi %rem3A_561, %select_n3A_560 : i32
        %select_n3A_571 = arith.select %and3A_569, %add3A_570, %rem3A_561 : i32
        %mul3A_572 = arith.constant 64 : i32
        %mul3A_573 = arith.muli %select_n3A_571, %mul3A_572 : i32
        %add3A_574 = arith.constant 0 : i32
        %add3A_575 = arith.addi %mul3A_573, %add3A_574 : i32
        %get3A = arith.index_cast %select_n3A : i32 to index
        %get3A_576 = arith.index_cast %add3A_575 : i32 to index
        %get3A_577 = tpu.vector_load %arg7[%get3A, %get3A_576] {strides = array<i32>} : memref<8x2048xf32, #tpu.memory_space<vmem>>, vector<1x16xf32>,
        %get3A_578 = vector.shape_cast %get3A_577 : vector<1x16xf32> to vector<16xf32>
        %swap3A = arith.index_cast %select_n3A : i32 to index
        %swap3A_579 = arith.index_cast %add3A_575 : i32 to index
        %swap3A_580 = tpu.vector_load %arg11[%swap3A, %swap3A_579] {strides = array<i32>} : memref<8x2048xf32, #tpu.memory_space<vmem>>, vector<1x16xf32>,
        %swap3A_581 = vector.shape_cast %swap3A_580 : vector<1x16xf32> to vector<16xf32>
        %swap3A_582 = vector.shape_cast %get3A_578 : vector<16xf32> to vector<1x16xf32>
        tpu.vector_store %arg11[%swap3A, %swap3A_579], %swap3A_582 {add = true, strides = array<i32>} : memref<8x2048xf32, #tpu.memory_space<vmem>>, vector<1x16xf32>,
        %add3A_583 = arith.constant 16 : i32
        %add3A_584 = arith.addi %mul3A_573, %add3A_583 : i32
        %get3A_585 = arith.index_cast %select_n3A : i32 to index
        %get3A_586 = arith.index_cast %add3A_584 : i32 to index
        %get3A_587 = tpu.vector_load %arg7[%get3A_585, %get3A_586] {strides = array<i32>} : memref<8x2048xf32, #tpu.memory_space<vmem>>, vector<1x16xf32>,
        %get3A_588 = vector.shape_cast %get3A_587 : vector<1x16xf32> to vector<16xf32>
        %swap3A_589 = arith.index_cast %select_n3A : i32 to index
        %swap3A_590 = arith.index_cast %add3A_584 : i32 to index
        %swap3A_591 = tpu.vector_load %arg11[%swap3A_589, %swap3A_590] {strides = array<i32>} : memref<8x2048xf32, #tpu.memory_space<vmem>>, vector<1x16xf32>,
        %swap3A_592 = vector.shape_cast %swap3A_591 : vector<1x16xf32> to vector<16xf32>
        %swap3A_593 = vector.shape_cast %get3A_588 : vector<16xf32> to vector<1x16xf32>
        tpu.vector_store %arg11[%swap3A_589, %swap3A_590], %swap3A_593 {add = true, strides = array<i32>} : memref<8x2048xf32, #tpu.memory_space<vmem>>, vector<1x16xf32>,
        %add3A_594 = arith.constant 32 : i32
        %add3A_595 = arith.addi %mul3A_573, %add3A_594 : i32
        %get3A_596 = arith.index_cast %select_n3A : i32 to index
        %get3A_597 = arith.index_cast %add3A_595 : i32 to index
        %get3A_598 = tpu.vector_load %arg7[%get3A_596, %get3A_597] {strides = array<i32>} : memref<8x2048xf32, #tpu.memory_space<vmem>>, vector<1x16xf32>,
        %get3A_599 = vector.shape_cast %get3A_598 : vector<1x16xf32> to vector<16xf32>
        %swap3A_600 = arith.index_cast %select_n3A : i32 to index
        %swap3A_601 = arith.index_cast %add3A_595 : i32 to index
        %swap3A_602 = tpu.vector_load %arg11[%swap3A_600, %swap3A_601] {strides = array<i32>} : memref<8x2048xf32, #tpu.memory_space<vmem>>, vector<1x16xf32>,
        %swap3A_603 = vector.shape_cast %swap3A_602 : vector<1x16xf32> to vector<16xf32>
        %swap3A_604 = vector.shape_cast %get3A_599 : vector<16xf32> to vector<1x16xf32>
        tpu.vector_store %arg11[%swap3A_600, %swap3A_601], %swap3A_604 {add = true, strides = array<i32>} : memref<8x2048xf32, #tpu.memory_space<vmem>>, vector<1x16xf32>,
        %add3A_605 = arith.constant 48 : i32
        %add3A_606 = arith.addi %mul3A_573, %add3A_605 : i32
        %get3A_607 = arith.index_cast %select_n3A : i32 to index
        %get3A_608 = arith.index_cast %add3A_606 : i32 to index
        %get3A_609 = tpu.vector_load %arg7[%get3A_607, %get3A_608] {strides = array<i32>} : memref<8x2048xf32, #tpu.memory_space<vmem>>, vector<1x16xf32>,
        %get3A_610 = vector.shape_cast %get3A_609 : vector<1x16xf32> to vector<16xf32>
        %swap3A_611 = arith.index_cast %select_n3A : i32 to index
        %swap3A_612 = arith.index_cast %add3A_606 : i32 to index
        %swap3A_613 = tpu.vector_load %arg11[%swap3A_611, %swap3A_612] {strides = array<i32>} : memref<8x2048xf32, #tpu.memory_space<vmem>>, vector<1x16xf32>,
        %swap3A_614 = vector.shape_cast %swap3A_613 : vector<1x16xf32> to vector<16xf32>
        %swap3A_615 = vector.shape_cast %get3A_610 : vector<16xf32> to vector<1x16xf32>
        tpu.vector_store %arg11[%swap3A_611, %swap3A_612], %swap3A_615 {add = true, strides = array<i32>} : memref<8x2048xf32, #tpu.memory_space<vmem>>, vector<1x16xf32>,
        %scan3A_616 = arith.constant 0 : i32
        scf.yield %scan3A_616 : i32
      }
      %scan3A_277 = arith.constant 256 : i32
      %mul3A_278 = arith.constant 8 : i32
      %mul3A_279 = arith.muli %add3A_141, %mul3A_278 : i32
      %add3A_280 = arith.addi %mul3A_2, %mul3A_279 : i32
      %dma_start3A_281 = arith.constant 2 : i32
      %dma_start3A_282 = arith.constant 0 : i32
      %dma_start3A_283 = tpu.memref_slice %arg5[%dma_start3A_281, %add3A_280, %dma_start3A_282] : memref<4x2048x2048xf32, #tpu.memory_space<hbm>> -> memref<1x8x2048xf32, #tpu.memory_space<hbm>>
      %dma_start3A_284 = tpu.memref_squeeze %dma_start3A_283 : memref<1x8x2048xf32, #tpu.memory_space<hbm>> -> memref<8x2048xf32, #tpu.memory_space<hbm>>
      %dma_start3A_285 = arith.constant 0 : i32
      %dma_start3A_286 = tpu.memref_slice %arg5[%dma_start3A_281, %add3A_280, %dma_start3A_285] : memref<4x2048x2048xf32, #tpu.memory_space<hbm>> -> memref<1x8x2048xf32, #tpu.memory_space<hbm>>
      %dma_start3A_287 = tpu.memref_squeeze %dma_start3A_286 : memref<1x8x2048xf32, #tpu.memory_space<hbm>> -> memref<8x2048xf32, #tpu.memory_space<hbm>>
      tpu.enqueue_dma source(%arg11 : memref<8x2048xf32, #tpu.memory_space<vmem>>) target(%dma_start3A_287 : memref<8x2048xf32, #tpu.memory_space<hbm>>) target_semaphore(%arg21 : memref<!tpu.dma_semaphore, #tpu.memory_space<semaphore_mem>>)
      %ge3A_288 = arith.constant 1 : i32
      %ge3A_289 = arith.cmpi sge, %add3A_262, %ge3A_288 : i32
      %convert_element_type3A_290 = arith.extui %ge3A_289 : i1 to i32
      %cond3A_291 = arith.constant 0 : i32
      %cond3A_292 = arith.cmpi ne, %convert_element_type3A_290, %cond3A_291 : i32
      scf.if %cond3A_292 {
        %mul3A_538 = arith.constant 8 : i32
        %mul3A_539 = arith.muli %add3A_141, %mul3A_538 : i32
        %add3A_540 = arith.addi %mul3A_2, %mul3A_539 : i32
        %dma_wait3A_541 = arith.constant 1 : i32
        %dma_wait3A_542 = arith.constant 0 : i32
        %dma_wait3A_543 = tpu.memref_slice %arg5[%dma_wait3A_541, %add3A_540, %dma_wait3A_542] : memref<4x2048x2048xf32, #tpu.memory_space<hbm>> -> memref<1x8x2048xf32, #tpu.memory_space<hbm>>
        %dma_wait3A_544 = tpu.memref_squeeze %dma_wait3A_543 : memref<1x8x2048xf32, #tpu.memory_space<hbm>> -> memref<8x2048xf32, #tpu.memory_space<hbm>>
        %dma_wait3A_545 = arith.constant 0 : i32
        %dma_wait3A_546 = tpu.memref_slice %arg5[%dma_wait3A_541, %add3A_540, %dma_wait3A_545] : memref<4x2048x2048xf32, #tpu.memory_space<hbm>> -> memref<1x8x2048xf32, #tpu.memory_space<hbm>>
        %dma_wait3A_547 = tpu.memref_squeeze %dma_wait3A_546 : memref<1x8x2048xf32, #tpu.memory_space<hbm>> -> memref<8x2048xf32, #tpu.memory_space<hbm>>
        tpu.wait_dma2 semaphore(%arg20 : memref<!tpu.dma_semaphore, #tpu.memory_space<semaphore_mem>>) src(%arg10 : memref<8x2048xf32, #tpu.memory_space<vmem>>) dst(%dma_wait3A_547 : memref<8x2048xf32, #tpu.memory_space<hbm>>)
      } else {
      }
      %mul3A_293 = arith.constant 2 : i32
      %mul3A_294 = arith.muli %mul3A_293, %scan3A_136 : i32
      %add3A_295 = arith.constant 1 : i32
      %add3A_296 = arith.addi %mul3A_294, %add3A_295 : i32
      %mul3A_297 = arith.constant 8 : i32
      %mul3A_298 = arith.muli %add3A_296, %mul3A_297 : i32
      %add3A_299 = arith.constant 64 : i32
      %add3A_300 = arith.addi %add3A_299, %mul3A_298 : i32
      %dma_start3A_301 = tpu.memref_slice %arg6[%add3A_300] : memref<256xi32, #tpu.memory_space<vmem>> -> memref<8xi32, #tpu.memory_space<vmem>>
      %dma_start3A_302 = arith.constant 0 : i32
      %dma_start3A_303 = arith.constant 0 : i32
      %dma_start3A_304 = tpu.memref_slice %arg3[%dma_start3A_302, %dma_start3A_303] : memref<50257x2048xf32, #tpu.memory_space<hbm>> -> memref<50257x2048xf32, #tpu.memory_space<hbm>>
      tpu.enqueue_indirect_dma source(%dma_start3A_304 : memref<50257x2048xf32, #tpu.memory_space<hbm>>) target(%arg10 : memref<8x2048xf32, #tpu.memory_space<vmem>>) offsets(%dma_start3A_301 : memref<8xi32, #tpu.memory_space<vmem>>) semaphore(%arg16 : memref<!tpu.dma_semaphore, #tpu.memory_space<semaphore_mem>>)
      %mul3A_305 = arith.constant 2 : i32
      %mul3A_306 = arith.muli %mul3A_305, %scan3A_136 : i32
      %add3A_307 = arith.constant 0 : i32
      %add3A_308 = arith.addi %mul3A_306, %add3A_307 : i32
      %mul3A_309 = arith.constant 4 : i32
      %mul3A_310 = arith.muli %mul3A_309, %add3A_308 : i32
      %add3A_311 = arith.constant 3 : i32
      %add3A_312 = arith.addi %mul3A_310, %add3A_311 : i32
      %mul3A_313 = arith.constant 8 : i32
      %mul3A_314 = arith.muli %add3A_141, %mul3A_313 : i32
      %add3A_315 = arith.constant 192 : i32
      %add3A_316 = arith.addi %add3A_315, %mul3A_314 : i32
      %dma_wait3A_317 = tpu.memref_slice %arg6[%add3A_316] : memref<256xi32, #tpu.memory_space<vmem>> -> memref<8xi32, #tpu.memory_space<vmem>>
      %dma_wait3A_318 = arith.constant 0 : i32
      %dma_wait3A_319 = arith.constant 0 : i32
      %dma_wait3A_320 = tpu.memref_slice %arg3[%dma_wait3A_318, %dma_wait3A_319] : memref<50257x2048xf32, #tpu.memory_space<hbm>> -> memref<50257x2048xf32, #tpu.memory_space<hbm>>
      tpu.wait_indirect_dma semaphore(%arg18 : memref<!tpu.dma_semaphore, #tpu.memory_space<semaphore_mem>>) src(%dma_wait3A_320 : memref<50257x2048xf32, #tpu.memory_space<hbm>>) dst(%arg12 : memref<8x2048xf32, #tpu.memory_space<vmem>>)
      %scan3A_321 = arith.constant 0 : i32
      %scan3A_322 = arith.constant 0 : i32
      %scan3A_323 = arith.constant 256 : i32
      %scan3A_324 = arith.addi %scan3A_322, %scan3A_323 : i32
      %scan3A_325 = arith.constant 1 : i32
      %scan3A_326 = scf.for %scan3A_538 = %scan3A_322 to %scan3A_324 step %scan3A_325 iter_args(%scan3A_539 = %scan3A_321) -> (i32)  : i32 {
        %jit3A = arith.constant 32 : i32
        %div3A = arith.divsi %scan3A_538, %jit3A : i32
        %sign3A = arith.constant 0 : i32
        %sign3A_540 = arith.cmpi sgt, %scan3A_538, %sign3A : i32
        %sign3A_541 = arith.extui %sign3A_540 : i1 to i32
        %sign3A_542 = arith.constant 0 : i32
        %sign3A_543 = arith.cmpi slt, %scan3A_538, %sign3A_542 : i32
        %sign3A_544 = arith.extui %sign3A_543 : i1 to i32
        %sign3A_545 = arith.subi %sign3A_541, %sign3A_544 : i32
        %sign3A_546 = arith.constant 0 : i32
        %sign3A_547 = arith.cmpi sgt, %jit3A, %sign3A_546 : i32
        %sign3A_548 = arith.extui %sign3A_547 : i1 to i32
        %sign3A_549 = arith.constant 0 : i32
        %sign3A_550 = arith.cmpi slt, %jit3A, %sign3A_549 : i32
        %sign3A_551 = arith.extui %sign3A_550 : i1 to i32
        %sign3A_552 = arith.subi %sign3A_548, %sign3A_551 : i32
        %ne3A = arith.cmpi ne, %sign3A_545, %sign3A_552 : i32
        %rem3A = arith.remsi %scan3A_538, %jit3A : i32
        %ne3A_553 = arith.constant 0 : i32
        %ne3A_554 = arith.cmpi ne, %rem3A, %ne3A_553 : i32
        %and3A = arith.andi %ne3A, %ne3A_554 : i1
        %sub3A_555 = arith.constant 1 : i32
        %sub3A_556 = arith.subi %div3A, %sub3A_555 : i32
        %select_n3A = arith.select %and3A, %sub3A_556, %div3A : i32
        %jit3A_557 = arith.constant 32 : i32
        %eq3A = arith.constant 0 : i32
        %eq3A_558 = arith.cmpi eq, %jit3A_557, %eq3A : i32
        %jit3A_559 = arith.constant 1 : i32
        %select_n3A_560 = arith.select %eq3A_558, %jit3A_559, %jit3A_557 : i32
        %rem3A_561 = arith.remsi %scan3A_538, %select_n3A_560 : i32
        %ne3A_562 = arith.constant 0 : i32
        %ne3A_563 = arith.cmpi ne, %rem3A_561, %ne3A_562 : i32
        %lt3A_564 = arith.constant 0 : i32
        %lt3A_565 = arith.cmpi slt, %rem3A_561, %lt3A_564 : i32
        %lt3A_566 = arith.constant 0 : i32
        %lt3A_567 = arith.cmpi slt, %select_n3A_560, %lt3A_566 : i32
        %ne3A_568 = arith.xori %lt3A_565, %lt3A_567 : i1
        %and3A_569 = arith.andi %ne3A_568, %ne3A_563 : i1
        %add3A_570 = arith.addi %rem3A_561, %select_n3A_560 : i32
        %select_n3A_571 = arith.select %and3A_569, %add3A_570, %rem3A_561 : i32
        %mul3A_572 = arith.constant 64 : i32
        %mul3A_573 = arith.muli %select_n3A_571, %mul3A_572 : i32
        %add3A_574 = arith.constant 0 : i32
        %add3A_575 = arith.addi %mul3A_573, %add3A_574 : i32
        %get3A = arith.index_cast %select_n3A : i32 to index
        %get3A_576 = arith.index_cast %add3A_575 : i32 to index
        %get3A_577 = tpu.vector_load %arg7[%get3A, %get3A_576] {strides = array<i32>} : memref<8x2048xf32, #tpu.memory_space<vmem>>, vector<1x16xf32>,
        %get3A_578 = vector.shape_cast %get3A_577 : vector<1x16xf32> to vector<16xf32>
        %swap3A = arith.index_cast %select_n3A : i32 to index
        %swap3A_579 = arith.index_cast %add3A_575 : i32 to index
        %swap3A_580 = tpu.vector_load %arg12[%swap3A, %swap3A_579] {strides = array<i32>} : memref<8x2048xf32, #tpu.memory_space<vmem>>, vector<1x16xf32>,
        %swap3A_581 = vector.shape_cast %swap3A_580 : vector<1x16xf32> to vector<16xf32>
        %swap3A_582 = vector.shape_cast %get3A_578 : vector<16xf32> to vector<1x16xf32>
        tpu.vector_store %arg12[%swap3A, %swap3A_579], %swap3A_582 {add = true, strides = array<i32>} : memref<8x2048xf32, #tpu.memory_space<vmem>>, vector<1x16xf32>,
        %add3A_583 = arith.constant 16 : i32
        %add3A_584 = arith.addi %mul3A_573, %add3A_583 : i32
        %get3A_585 = arith.index_cast %select_n3A : i32 to index
        %get3A_586 = arith.index_cast %add3A_584 : i32 to index
        %get3A_587 = tpu.vector_load %arg7[%get3A_585, %get3A_586] {strides = array<i32>} : memref<8x2048xf32, #tpu.memory_space<vmem>>, vector<1x16xf32>,
        %get3A_588 = vector.shape_cast %get3A_587 : vector<1x16xf32> to vector<16xf32>
        %swap3A_589 = arith.index_cast %select_n3A : i32 to index
        %swap3A_590 = arith.index_cast %add3A_584 : i32 to index
        %swap3A_591 = tpu.vector_load %arg12[%swap3A_589, %swap3A_590] {strides = array<i32>} : memref<8x2048xf32, #tpu.memory_space<vmem>>, vector<1x16xf32>,
        %swap3A_592 = vector.shape_cast %swap3A_591 : vector<1x16xf32> to vector<16xf32>
        %swap3A_593 = vector.shape_cast %get3A_588 : vector<16xf32> to vector<1x16xf32>
        tpu.vector_store %arg12[%swap3A_589, %swap3A_590], %swap3A_593 {add = true, strides = array<i32>} : memref<8x2048xf32, #tpu.memory_space<vmem>>, vector<1x16xf32>,
        %add3A_594 = arith.constant 32 : i32
        %add3A_595 = arith.addi %mul3A_573, %add3A_594 : i32
        %get3A_596 = arith.index_cast %select_n3A : i32 to index
        %get3A_597 = arith.index_cast %add3A_595 : i32 to index
        %get3A_598 = tpu.vector_load %arg7[%get3A_596, %get3A_597] {strides = array<i32>} : memref<8x2048xf32, #tpu.memory_space<vmem>>, vector<1x16xf32>,
        %get3A_599 = vector.shape_cast %get3A_598 : vector<1x16xf32> to vector<16xf32>
        %swap3A_600 = arith.index_cast %select_n3A : i32 to index
        %swap3A_601 = arith.index_cast %add3A_595 : i32 to index
        %swap3A_602 = tpu.vector_load %arg12[%swap3A_600, %swap3A_601] {strides = array<i32>} : memref<8x2048xf32, #tpu.memory_space<vmem>>, vector<1x16xf32>,
        %swap3A_603 = vector.shape_cast %swap3A_602 : vector<1x16xf32> to vector<16xf32>
        %swap3A_604 = vector.shape_cast %get3A_599 : vector<16xf32> to vector<1x16xf32>
        tpu.vector_store %arg12[%swap3A_600, %swap3A_601], %swap3A_604 {add = true, strides = array<i32>} : memref<8x2048xf32, #tpu.memory_space<vmem>>, vector<1x16xf32>,
        %add3A_605 = arith.constant 48 : i32
        %add3A_606 = arith.addi %mul3A_573, %add3A_605 : i32
        %get3A_607 = arith.index_cast %select_n3A : i32 to index
        %get3A_608 = arith.index_cast %add3A_606 : i32 to index
        %get3A_609 = tpu.vector_load %arg7[%get3A_607, %get3A_608] {strides = array<i32>} : memref<8x2048xf32, #tpu.memory_space<vmem>>, vector<1x16xf32>,
        %get3A_610 = vector.shape_cast %get3A_609 : vector<1x16xf32> to vector<16xf32>
        %swap3A_611 = arith.index_cast %select_n3A : i32 to index
        %swap3A_612 = arith.index_cast %add3A_606 : i32 to index
        %swap3A_613 = tpu.vector_load %arg12[%swap3A_611, %swap3A_612] {strides = array<i32>} : memref<8x2048xf32, #tpu.memory_space<vmem>>, vector<1x16xf32>,
        %swap3A_614 = vector.shape_cast %swap3A_613 : vector<1x16xf32> to vector<16xf32>
        %swap3A_615 = vector.shape_cast %get3A_610 : vector<16xf32> to vector<1x16xf32>
        tpu.vector_store %arg12[%swap3A_611, %swap3A_612], %swap3A_615 {add = true, strides = array<i32>} : memref<8x2048xf32, #tpu.memory_space<vmem>>, vector<1x16xf32>,
        %scan3A_616 = arith.constant 0 : i32
        scf.yield %scan3A_616 : i32
      }
      %scan3A_327 = arith.constant 256 : i32
      %mul3A_328 = arith.constant 8 : i32
      %mul3A_329 = arith.muli %add3A_141, %mul3A_328 : i32
      %add3A_330 = arith.addi %mul3A_2, %mul3A_329 : i32
      %dma_start3A_331 = arith.constant 3 : i32
      %dma_start3A_332 = arith.constant 0 : i32
      %dma_start3A_333 = tpu.memref_slice %arg5[%dma_start3A_331, %add3A_330, %dma_start3A_332] : memref<4x2048x2048xf32, #tpu.memory_space<hbm>> -> memref<1x8x2048xf32, #tpu.memory_space<hbm>>
      %dma_start3A_334 = tpu.memref_squeeze %dma_start3A_333 : memref<1x8x2048xf32, #tpu.memory_space<hbm>> -> memref<8x2048xf32, #tpu.memory_space<hbm>>
      %dma_start3A_335 = arith.constant 0 : i32
      %dma_start3A_336 = tpu.memref_slice %arg5[%dma_start3A_331, %add3A_330, %dma_start3A_335] : memref<4x2048x2048xf32, #tpu.memory_space<hbm>> -> memref<1x8x2048xf32, #tpu.memory_space<hbm>>
      %dma_start3A_337 = tpu.memref_squeeze %dma_start3A_336 : memref<1x8x2048xf32, #tpu.memory_space<hbm>> -> memref<8x2048xf32, #tpu.memory_space<hbm>>
      tpu.enqueue_dma source(%arg12 : memref<8x2048xf32, #tpu.memory_space<vmem>>) target(%dma_start3A_337 : memref<8x2048xf32, #tpu.memory_space<hbm>>) target_semaphore(%arg22 : memref<!tpu.dma_semaphore, #tpu.memory_space<semaphore_mem>>)
      %ge3A_338 = arith.constant 1 : i32
      %ge3A_339 = arith.cmpi sge, %add3A_312, %ge3A_338 : i32
      %convert_element_type3A_340 = arith.extui %ge3A_339 : i1 to i32
      %cond3A_341 = arith.constant 0 : i32
      %cond3A_342 = arith.cmpi ne, %convert_element_type3A_340, %cond3A_341 : i32
      scf.if %cond3A_342 {
        %mul3A_538 = arith.constant 8 : i32
        %mul3A_539 = arith.muli %add3A_141, %mul3A_538 : i32
        %add3A_540 = arith.addi %mul3A_2, %mul3A_539 : i32
        %dma_wait3A_541 = arith.constant 2 : i32
        %dma_wait3A_542 = arith.constant 0 : i32
        %dma_wait3A_543 = tpu.memref_slice %arg5[%dma_wait3A_541, %add3A_540, %dma_wait3A_542] : memref<4x2048x2048xf32, #tpu.memory_space<hbm>> -> memref<1x8x2048xf32, #tpu.memory_space<hbm>>
        %dma_wait3A_544 = tpu.memref_squeeze %dma_wait3A_543 : memref<1x8x2048xf32, #tpu.memory_space<hbm>> -> memref<8x2048xf32, #tpu.memory_space<hbm>>
        %dma_wait3A_545 = arith.constant 0 : i32
        %dma_wait3A_546 = tpu.memref_slice %arg5[%dma_wait3A_541, %add3A_540, %dma_wait3A_545] : memref<4x2048x2048xf32, #tpu.memory_space<hbm>> -> memref<1x8x2048xf32, #tpu.memory_space<hbm>>
        %dma_wait3A_547 = tpu.memref_squeeze %dma_wait3A_546 : memref<1x8x2048xf32, #tpu.memory_space<hbm>> -> memref<8x2048xf32, #tpu.memory_space<hbm>>
        tpu.wait_dma2 semaphore(%arg21 : memref<!tpu.dma_semaphore, #tpu.memory_space<semaphore_mem>>) src(%arg11 : memref<8x2048xf32, #tpu.memory_space<vmem>>) dst(%dma_wait3A_547 : memref<8x2048xf32, #tpu.memory_space<hbm>>)
      } else {
      }
      %mul3A_343 = arith.constant 2 : i32
      %mul3A_344 = arith.muli %mul3A_343, %scan3A_136 : i32
      %add3A_345 = arith.constant 1 : i32
      %add3A_346 = arith.addi %mul3A_344, %add3A_345 : i32
      %mul3A_347 = arith.constant 8 : i32
      %mul3A_348 = arith.muli %add3A_346, %mul3A_347 : i32
      %add3A_349 = arith.constant 128 : i32
      %add3A_350 = arith.addi %add3A_349, %mul3A_348 : i32
      %dma_start3A_351 = tpu.memref_slice %arg6[%add3A_350] : memref<256xi32, #tpu.memory_space<vmem>> -> memref<8xi32, #tpu.memory_space<vmem>>
      %dma_start3A_352 = arith.constant 0 : i32
      %dma_start3A_353 = arith.constant 0 : i32
      %dma_start3A_354 = tpu.memref_slice %arg3[%dma_start3A_352, %dma_start3A_353] : memref<50257x2048xf32, #tpu.memory_space<hbm>> -> memref<50257x2048xf32, #tpu.memory_space<hbm>>
      tpu.enqueue_indirect_dma source(%dma_start3A_354 : memref<50257x2048xf32, #tpu.memory_space<hbm>>) target(%arg11 : memref<8x2048xf32, #tpu.memory_space<vmem>>) offsets(%dma_start3A_351 : memref<8xi32, #tpu.memory_space<vmem>>) semaphore(%arg17 : memref<!tpu.dma_semaphore, #tpu.memory_space<semaphore_mem>>)
      %mul3A_355 = arith.constant 2 : i32
      %mul3A_356 = arith.muli %mul3A_355, %scan3A_136 : i32
      %add3A_357 = arith.constant 1 : i32
      %add3A_358 = arith.addi %mul3A_356, %add3A_357 : i32
      %mul3A_359 = arith.constant 2 : i32
      %mul3A_360 = arith.muli %mul3A_359, %scan3A_136 : i32
      %add3A_361 = arith.constant 1 : i32
      %add3A_362 = arith.addi %mul3A_360, %add3A_361 : i32
      %mul3A_363 = arith.constant 4 : i32
      %mul3A_364 = arith.muli %mul3A_363, %add3A_362 : i32
      %add3A_365 = arith.constant 0 : i32
      %add3A_366 = arith.addi %mul3A_364, %add3A_365 : i32
      %lt3A = arith.constant 3 : i32
      %lt3A_367 = arith.cmpi slt, %scan3A_136, %lt3A : i32
      %convert_element_type3A_368 = arith.extui %lt3A_367 : i1 to i32
      %cond3A_369 = arith.constant 0 : i32
      %cond3A_370 = arith.cmpi ne, %convert_element_type3A_368, %cond3A_369 : i32
      scf.if %cond3A_370 {
        %add3A_538 = arith.constant 1 : i32
        %add3A_539 = arith.addi %add3A_358, %add3A_538 : i32
        %mul3A_540 = arith.constant 8 : i32
        %mul3A_541 = arith.muli %add3A_539, %mul3A_540 : i32
        %add3A_542 = arith.addi %mul3A_2, %mul3A_541 : i32
        %dma_start3A_543 = arith.constant 0 : i32
        %dma_start3A_544 = tpu.memref_slice %arg4[%add3A_542, %dma_start3A_543] : memref<4096x2048xf32, #tpu.memory_space<hbm>> -> memref<8x2048xf32, #tpu.memory_space<hbm>>
        %dma_start3A_545 = arith.constant 0 : i32
        %dma_start3A_546 = tpu.memref_slice %arg4[%add3A_542, %dma_start3A_545] : memref<4096x2048xf32, #tpu.memory_space<hbm>> -> memref<8x2048xf32, #tpu.memory_space<hbm>>
        tpu.enqueue_dma source(%dma_start3A_546 : memref<8x2048xf32, #tpu.memory_space<hbm>>) target(%arg7 : memref<8x2048xf32, #tpu.memory_space<vmem>>) target_semaphore(%arg13 : memref<!tpu.dma_semaphore, #tpu.memory_space<semaphore_mem>>)
      } else {
      }
      %mul3A_371 = arith.constant 8 : i32
      %mul3A_372 = arith.muli %add3A_358, %mul3A_371 : i32
      %add3A_373 = arith.addi %mul3A_2, %mul3A_372 : i32
      %dma_wait3A_374 = arith.constant 0 : i32
      %dma_wait3A_375 = tpu.memref_slice %arg4[%add3A_373, %dma_wait3A_374] : memref<4096x2048xf32, #tpu.memory_space<hbm>> -> memref<8x2048xf32, #tpu.memory_space<hbm>>
      %dma_wait3A_376 = arith.constant 0 : i32
      %dma_wait3A_377 = tpu.memref_slice %arg4[%add3A_373, %dma_wait3A_376] : memref<4096x2048xf32, #tpu.memory_space<hbm>> -> memref<8x2048xf32, #tpu.memory_space<hbm>>
      tpu.wait_dma2 semaphore(%arg14 : memref<!tpu.dma_semaphore, #tpu.memory_space<semaphore_mem>>) src(%dma_wait3A_377 : memref<8x2048xf32, #tpu.memory_space<hbm>>) dst(%arg8 : memref<8x2048xf32, #tpu.memory_space<vmem>>)
      %mul3A_378 = arith.constant 8 : i32
      %mul3A_379 = arith.muli %add3A_358, %mul3A_378 : i32
      %add3A_380 = arith.constant 0 : i32
      %add3A_381 = arith.addi %add3A_380, %mul3A_379 : i32
      %dma_wait3A_382 = tpu.memref_slice %arg6[%add3A_381] : memref<256xi32, #tpu.memory_space<vmem>> -> memref<8xi32, #tpu.memory_space<vmem>>
      %dma_wait3A_383 = arith.constant 0 : i32
      %dma_wait3A_384 = arith.constant 0 : i32
      %dma_wait3A_385 = tpu.memref_slice %arg3[%dma_wait3A_383, %dma_wait3A_384] : memref<50257x2048xf32, #tpu.memory_space<hbm>> -> memref<50257x2048xf32, #tpu.memory_space<hbm>>
      tpu.wait_indirect_dma semaphore(%arg15 : memref<!tpu.dma_semaphore, #tpu.memory_space<semaphore_mem>>) src(%dma_wait3A_385 : memref<50257x2048xf32, #tpu.memory_space<hbm>>) dst(%arg9 : memref<8x2048xf32, #tpu.memory_space<vmem>>)
      %scan3A_386 = arith.constant 0 : i32
      %scan3A_387 = arith.constant 0 : i32
      %scan3A_388 = arith.constant 256 : i32
      %scan3A_389 = arith.addi %scan3A_387, %scan3A_388 : i32
      %scan3A_390 = arith.constant 1 : i32
      %scan3A_391 = scf.for %scan3A_538 = %scan3A_387 to %scan3A_389 step %scan3A_390 iter_args(%scan3A_539 = %scan3A_386) -> (i32)  : i32 {
        %jit3A = arith.constant 32 : i32
        %div3A = arith.divsi %scan3A_538, %jit3A : i32
        %sign3A = arith.constant 0 : i32
        %sign3A_540 = arith.cmpi sgt, %scan3A_538, %sign3A : i32
        %sign3A_541 = arith.extui %sign3A_540 : i1 to i32
        %sign3A_542 = arith.constant 0 : i32
        %sign3A_543 = arith.cmpi slt, %scan3A_538, %sign3A_542 : i32
        %sign3A_544 = arith.extui %sign3A_543 : i1 to i32
        %sign3A_545 = arith.subi %sign3A_541, %sign3A_544 : i32
        %sign3A_546 = arith.constant 0 : i32
        %sign3A_547 = arith.cmpi sgt, %jit3A, %sign3A_546 : i32
        %sign3A_548 = arith.extui %sign3A_547 : i1 to i32
        %sign3A_549 = arith.constant 0 : i32
        %sign3A_550 = arith.cmpi slt, %jit3A, %sign3A_549 : i32
        %sign3A_551 = arith.extui %sign3A_550 : i1 to i32
        %sign3A_552 = arith.subi %sign3A_548, %sign3A_551 : i32
        %ne3A = arith.cmpi ne, %sign3A_545, %sign3A_552 : i32
        %rem3A = arith.remsi %scan3A_538, %jit3A : i32
        %ne3A_553 = arith.constant 0 : i32
        %ne3A_554 = arith.cmpi ne, %rem3A, %ne3A_553 : i32
        %and3A = arith.andi %ne3A, %ne3A_554 : i1
        %sub3A_555 = arith.constant 1 : i32
        %sub3A_556 = arith.subi %div3A, %sub3A_555 : i32
        %select_n3A = arith.select %and3A, %sub3A_556, %div3A : i32
        %jit3A_557 = arith.constant 32 : i32
        %eq3A = arith.constant 0 : i32
        %eq3A_558 = arith.cmpi eq, %jit3A_557, %eq3A : i32
        %jit3A_559 = arith.constant 1 : i32
        %select_n3A_560 = arith.select %eq3A_558, %jit3A_559, %jit3A_557 : i32
        %rem3A_561 = arith.remsi %scan3A_538, %select_n3A_560 : i32
        %ne3A_562 = arith.constant 0 : i32
        %ne3A_563 = arith.cmpi ne, %rem3A_561, %ne3A_562 : i32
        %lt3A_564 = arith.constant 0 : i32
        %lt3A_565 = arith.cmpi slt, %rem3A_561, %lt3A_564 : i32
        %lt3A_566 = arith.constant 0 : i32
        %lt3A_567 = arith.cmpi slt, %select_n3A_560, %lt3A_566 : i32
        %ne3A_568 = arith.xori %lt3A_565, %lt3A_567 : i1
        %and3A_569 = arith.andi %ne3A_568, %ne3A_563 : i1
        %add3A_570 = arith.addi %rem3A_561, %select_n3A_560 : i32
        %select_n3A_571 = arith.select %and3A_569, %add3A_570, %rem3A_561 : i32
        %mul3A_572 = arith.constant 64 : i32
        %mul3A_573 = arith.muli %select_n3A_571, %mul3A_572 : i32
        %add3A_574 = arith.constant 0 : i32
        %add3A_575 = arith.addi %mul3A_573, %add3A_574 : i32
        %get3A = arith.index_cast %select_n3A : i32 to index
        %get3A_576 = arith.index_cast %add3A_575 : i32 to index
        %get3A_577 = tpu.vector_load %arg8[%get3A, %get3A_576] {strides = array<i32>} : memref<8x2048xf32, #tpu.memory_space<vmem>>, vector<1x16xf32>,
        %get3A_578 = vector.shape_cast %get3A_577 : vector<1x16xf32> to vector<16xf32>
        %swap3A = arith.index_cast %select_n3A : i32 to index
        %swap3A_579 = arith.index_cast %add3A_575 : i32 to index
        %swap3A_580 = tpu.vector_load %arg9[%swap3A, %swap3A_579] {strides = array<i32>} : memref<8x2048xf32, #tpu.memory_space<vmem>>, vector<1x16xf32>,
        %swap3A_581 = vector.shape_cast %swap3A_580 : vector<1x16xf32> to vector<16xf32>
        %swap3A_582 = vector.shape_cast %get3A_578 : vector<16xf32> to vector<1x16xf32>
        tpu.vector_store %arg9[%swap3A, %swap3A_579], %swap3A_582 {add = true, strides = array<i32>} : memref<8x2048xf32, #tpu.memory_space<vmem>>, vector<1x16xf32>,
        %add3A_583 = arith.constant 16 : i32
        %add3A_584 = arith.addi %mul3A_573, %add3A_583 : i32
        %get3A_585 = arith.index_cast %select_n3A : i32 to index
        %get3A_586 = arith.index_cast %add3A_584 : i32 to index
        %get3A_587 = tpu.vector_load %arg8[%get3A_585, %get3A_586] {strides = array<i32>} : memref<8x2048xf32, #tpu.memory_space<vmem>>, vector<1x16xf32>,
        %get3A_588 = vector.shape_cast %get3A_587 : vector<1x16xf32> to vector<16xf32>
        %swap3A_589 = arith.index_cast %select_n3A : i32 to index
        %swap3A_590 = arith.index_cast %add3A_584 : i32 to index
        %swap3A_591 = tpu.vector_load %arg9[%swap3A_589, %swap3A_590] {strides = array<i32>} : memref<8x2048xf32, #tpu.memory_space<vmem>>, vector<1x16xf32>,
        %swap3A_592 = vector.shape_cast %swap3A_591 : vector<1x16xf32> to vector<16xf32>
        %swap3A_593 = vector.shape_cast %get3A_588 : vector<16xf32> to vector<1x16xf32>
        tpu.vector_store %arg9[%swap3A_589, %swap3A_590], %swap3A_593 {add = true, strides = array<i32>} : memref<8x2048xf32, #tpu.memory_space<vmem>>, vector<1x16xf32>,
        %add3A_594 = arith.constant 32 : i32
        %add3A_595 = arith.addi %mul3A_573, %add3A_594 : i32
        %get3A_596 = arith.index_cast %select_n3A : i32 to index
        %get3A_597 = arith.index_cast %add3A_595 : i32 to index
        %get3A_598 = tpu.vector_load %arg8[%get3A_596, %get3A_597] {strides = array<i32>} : memref<8x2048xf32, #tpu.memory_space<vmem>>, vector<1x16xf32>,
        %get3A_599 = vector.shape_cast %get3A_598 : vector<1x16xf32> to vector<16xf32>
        %swap3A_600 = arith.index_cast %select_n3A : i32 to index
        %swap3A_601 = arith.index_cast %add3A_595 : i32 to index
        %swap3A_602 = tpu.vector_load %arg9[%swap3A_600, %swap3A_601] {strides = array<i32>} : memref<8x2048xf32, #tpu.memory_space<vmem>>, vector<1x16xf32>,
        %swap3A_603 = vector.shape_cast %swap3A_602 : vector<1x16xf32> to vector<16xf32>
        %swap3A_604 = vector.shape_cast %get3A_599 : vector<16xf32> to vector<1x16xf32>
        tpu.vector_store %arg9[%swap3A_600, %swap3A_601], %swap3A_604 {add = true, strides = array<i32>} : memref<8x2048xf32, #tpu.memory_space<vmem>>, vector<1x16xf32>,
        %add3A_605 = arith.constant 48 : i32
        %add3A_606 = arith.addi %mul3A_573, %add3A_605 : i32
        %get3A_607 = arith.index_cast %select_n3A : i32 to index
        %get3A_608 = arith.index_cast %add3A_606 : i32 to index
        %get3A_609 = tpu.vector_load %arg8[%get3A_607, %get3A_608] {strides = array<i32>} : memref<8x2048xf32, #tpu.memory_space<vmem>>, vector<1x16xf32>,
        %get3A_610 = vector.shape_cast %get3A_609 : vector<1x16xf32> to vector<16xf32>
        %swap3A_611 = arith.index_cast %select_n3A : i32 to index
        %swap3A_612 = arith.index_cast %add3A_606 : i32 to index
        %swap3A_613 = tpu.vector_load %arg9[%swap3A_611, %swap3A_612] {strides = array<i32>} : memref<8x2048xf32, #tpu.memory_space<vmem>>, vector<1x16xf32>,
        %swap3A_614 = vector.shape_cast %swap3A_613 : vector<1x16xf32> to vector<16xf32>
        %swap3A_615 = vector.shape_cast %get3A_610 : vector<16xf32> to vector<1x16xf32>
        tpu.vector_store %arg9[%swap3A_611, %swap3A_612], %swap3A_615 {add = true, strides = array<i32>} : memref<8x2048xf32, #tpu.memory_space<vmem>>, vector<1x16xf32>,
        %scan3A_616 = arith.constant 0 : i32
        scf.yield %scan3A_616 : i32
      }
      %scan3A_392 = arith.constant 256 : i32
      %mul3A_393 = arith.constant 8 : i32
      %mul3A_394 = arith.muli %add3A_358, %mul3A_393 : i32
      %add3A_395 = arith.addi %mul3A_2, %mul3A_394 : i32
      %dma_start3A_396 = arith.constant 0 : i32
      %dma_start3A_397 = arith.constant 0 : i32
      %dma_start3A_398 = tpu.memref_slice %arg5[%dma_start3A_396, %add3A_395, %dma_start3A_397] : memref<4x2048x2048xf32, #tpu.memory_space<hbm>> -> memref<1x8x2048xf32, #tpu.memory_space<hbm>>
      %dma_start3A_399 = tpu.memref_squeeze %dma_start3A_398 : memref<1x8x2048xf32, #tpu.memory_space<hbm>> -> memref<8x2048xf32, #tpu.memory_space<hbm>>
      %dma_start3A_400 = arith.constant 0 : i32
      %dma_start3A_401 = tpu.memref_slice %arg5[%dma_start3A_396, %add3A_395, %dma_start3A_400] : memref<4x2048x2048xf32, #tpu.memory_space<hbm>> -> memref<1x8x2048xf32, #tpu.memory_space<hbm>>
      %dma_start3A_402 = tpu.memref_squeeze %dma_start3A_401 : memref<1x8x2048xf32, #tpu.memory_space<hbm>> -> memref<8x2048xf32, #tpu.memory_space<hbm>>
      tpu.enqueue_dma source(%arg9 : memref<8x2048xf32, #tpu.memory_space<vmem>>) target(%dma_start3A_402 : memref<8x2048xf32, #tpu.memory_space<hbm>>) target_semaphore(%arg19 : memref<!tpu.dma_semaphore, #tpu.memory_space<semaphore_mem>>)
      %add3A_403 = arith.constant 4 : i32
      %add3A_404 = arith.addi %add3A_366, %add3A_403 : i32
      %sub3A = arith.constant 1 : i32
      %sub3A_405 = arith.subi %add3A_404, %sub3A : i32
      %lt3A_406 = arith.constant 32 : i32
      %lt3A_407 = arith.cmpi slt, %sub3A_405, %lt3A_406 : i32
      %convert_element_type3A_408 = arith.extui %lt3A_407 : i1 to i32
      %cond3A_409 = arith.constant 0 : i32
      %cond3A_410 = arith.cmpi ne, %convert_element_type3A_408, %cond3A_409 : i32
      scf.if %cond3A_410 {
        %sub3A_538 = arith.constant 1 : i32
        %sub3A_539 = arith.subi %add3A_358, %sub3A_538 : i32
        %mul3A_540 = arith.constant 8 : i32
        %mul3A_541 = arith.muli %sub3A_539, %mul3A_540 : i32
        %add3A_542 = arith.addi %mul3A_2, %mul3A_541 : i32
        %dma_wait3A_543 = arith.constant 3 : i32
        %dma_wait3A_544 = arith.constant 0 : i32
        %dma_wait3A_545 = tpu.memref_slice %arg5[%dma_wait3A_543, %add3A_542, %dma_wait3A_544] : memref<4x2048x2048xf32, #tpu.memory_space<hbm>> -> memref<1x8x2048xf32, #tpu.memory_space<hbm>>
        %dma_wait3A_546 = tpu.memref_squeeze %dma_wait3A_545 : memref<1x8x2048xf32, #tpu.memory_space<hbm>> -> memref<8x2048xf32, #tpu.memory_space<hbm>>
        %dma_wait3A_547 = arith.constant 0 : i32
        %dma_wait3A_548 = tpu.memref_slice %arg5[%dma_wait3A_543, %add3A_542, %dma_wait3A_547] : memref<4x2048x2048xf32, #tpu.memory_space<hbm>> -> memref<1x8x2048xf32, #tpu.memory_space<hbm>>
        %dma_wait3A_549 = tpu.memref_squeeze %dma_wait3A_548 : memref<1x8x2048xf32, #tpu.memory_space<hbm>> -> memref<8x2048xf32, #tpu.memory_space<hbm>>
        tpu.wait_dma2 semaphore(%arg22 : memref<!tpu.dma_semaphore, #tpu.memory_space<semaphore_mem>>) src(%arg12 : memref<8x2048xf32, #tpu.memory_space<vmem>>) dst(%dma_wait3A_549 : memref<8x2048xf32, #tpu.memory_space<hbm>>)
        %mul3A_550 = arith.constant 2 : i32
        %mul3A_551 = arith.muli %mul3A_550, %scan3A_136 : i32
        %add3A_552 = arith.constant 1 : i32
        %add3A_553 = arith.addi %mul3A_551, %add3A_552 : i32
        %mul3A_554 = arith.constant 8 : i32
        %mul3A_555 = arith.muli %add3A_553, %mul3A_554 : i32
        %add3A_556 = arith.constant 192 : i32
        %add3A_557 = arith.addi %add3A_556, %mul3A_555 : i32
        %dma_start3A_558 = tpu.memref_slice %arg6[%add3A_557] : memref<256xi32, #tpu.memory_space<vmem>> -> memref<8xi32, #tpu.memory_space<vmem>>
        %dma_start3A_559 = arith.constant 0 : i32
        %dma_start3A_560 = arith.constant 0 : i32
        %dma_start3A_561 = tpu.memref_slice %arg3[%dma_start3A_559, %dma_start3A_560] : memref<50257x2048xf32, #tpu.memory_space<hbm>> -> memref<50257x2048xf32, #tpu.memory_space<hbm>>
        tpu.enqueue_indirect_dma source(%dma_start3A_561 : memref<50257x2048xf32, #tpu.memory_space<hbm>>) target(%arg12 : memref<8x2048xf32, #tpu.memory_space<vmem>>) offsets(%dma_start3A_558 : memref<8xi32, #tpu.memory_space<vmem>>) semaphore(%arg18 : memref<!tpu.dma_semaphore, #tpu.memory_space<semaphore_mem>>)
      } else {
      }
      %mul3A_411 = arith.constant 2 : i32
      %mul3A_412 = arith.muli %mul3A_411, %scan3A_136 : i32
      %add3A_413 = arith.constant 1 : i32
      %add3A_414 = arith.addi %mul3A_412, %add3A_413 : i32
      %mul3A_415 = arith.constant 4 : i32
      %mul3A_416 = arith.muli %mul3A_415, %add3A_414 : i32
      %add3A_417 = arith.constant 1 : i32
      %add3A_418 = arith.addi %mul3A_416, %add3A_417 : i32
      %mul3A_419 = arith.constant 8 : i32
      %mul3A_420 = arith.muli %add3A_358, %mul3A_419 : i32
      %add3A_421 = arith.constant 64 : i32
      %add3A_422 = arith.addi %add3A_421, %mul3A_420 : i32
      %dma_wait3A_423 = tpu.memref_slice %arg6[%add3A_422] : memref<256xi32, #tpu.memory_space<vmem>> -> memref<8xi32, #tpu.memory_space<vmem>>
      %dma_wait3A_424 = arith.constant 0 : i32
      %dma_wait3A_425 = arith.constant 0 : i32
      %dma_wait3A_426 = tpu.memref_slice %arg3[%dma_wait3A_424, %dma_wait3A_425] : memref<50257x2048xf32, #tpu.memory_space<hbm>> -> memref<50257x2048xf32, #tpu.memory_space<hbm>>
      tpu.wait_indirect_dma semaphore(%arg16 : memref<!tpu.dma_semaphore, #tpu.memory_space<semaphore_mem>>) src(%dma_wait3A_426 : memref<50257x2048xf32, #tpu.memory_space<hbm>>) dst(%arg10 : memref<8x2048xf32, #tpu.memory_space<vmem>>)
      %scan3A_427 = arith.constant 0 : i32
      %scan3A_428 = arith.constant 0 : i32
      %scan3A_429 = arith.constant 256 : i32
      %scan3A_430 = arith.addi %scan3A_428, %scan3A_429 : i32
      %scan3A_431 = arith.constant 1 : i32
      %scan3A_432 = scf.for %scan3A_538 = %scan3A_428 to %scan3A_430 step %scan3A_431 iter_args(%scan3A_539 = %scan3A_427) -> (i32)  : i32 {
        %jit3A = arith.constant 32 : i32
        %div3A = arith.divsi %scan3A_538, %jit3A : i32
        %sign3A = arith.constant 0 : i32
        %sign3A_540 = arith.cmpi sgt, %scan3A_538, %sign3A : i32
        %sign3A_541 = arith.extui %sign3A_540 : i1 to i32
        %sign3A_542 = arith.constant 0 : i32
        %sign3A_543 = arith.cmpi slt, %scan3A_538, %sign3A_542 : i32
        %sign3A_544 = arith.extui %sign3A_543 : i1 to i32
        %sign3A_545 = arith.subi %sign3A_541, %sign3A_544 : i32
        %sign3A_546 = arith.constant 0 : i32
        %sign3A_547 = arith.cmpi sgt, %jit3A, %sign3A_546 : i32
        %sign3A_548 = arith.extui %sign3A_547 : i1 to i32
        %sign3A_549 = arith.constant 0 : i32
        %sign3A_550 = arith.cmpi slt, %jit3A, %sign3A_549 : i32
        %sign3A_551 = arith.extui %sign3A_550 : i1 to i32
        %sign3A_552 = arith.subi %sign3A_548, %sign3A_551 : i32
        %ne3A = arith.cmpi ne, %sign3A_545, %sign3A_552 : i32
        %rem3A = arith.remsi %scan3A_538, %jit3A : i32
        %ne3A_553 = arith.constant 0 : i32
        %ne3A_554 = arith.cmpi ne, %rem3A, %ne3A_553 : i32
        %and3A = arith.andi %ne3A, %ne3A_554 : i1
        %sub3A_555 = arith.constant 1 : i32
        %sub3A_556 = arith.subi %div3A, %sub3A_555 : i32
        %select_n3A = arith.select %and3A, %sub3A_556, %div3A : i32
        %jit3A_557 = arith.constant 32 : i32
        %eq3A = arith.constant 0 : i32
        %eq3A_558 = arith.cmpi eq, %jit3A_557, %eq3A : i32
        %jit3A_559 = arith.constant 1 : i32
        %select_n3A_560 = arith.select %eq3A_558, %jit3A_559, %jit3A_557 : i32
        %rem3A_561 = arith.remsi %scan3A_538, %select_n3A_560 : i32
        %ne3A_562 = arith.constant 0 : i32
        %ne3A_563 = arith.cmpi ne, %rem3A_561, %ne3A_562 : i32
        %lt3A_564 = arith.constant 0 : i32
        %lt3A_565 = arith.cmpi slt, %rem3A_561, %lt3A_564 : i32
        %lt3A_566 = arith.constant 0 : i32
        %lt3A_567 = arith.cmpi slt, %select_n3A_560, %lt3A_566 : i32
        %ne3A_568 = arith.xori %lt3A_565, %lt3A_567 : i1
        %and3A_569 = arith.andi %ne3A_568, %ne3A_563 : i1
        %add3A_570 = arith.addi %rem3A_561, %select_n3A_560 : i32
        %select_n3A_571 = arith.select %and3A_569, %add3A_570, %rem3A_561 : i32
        %mul3A_572 = arith.constant 64 : i32
        %mul3A_573 = arith.muli %select_n3A_571, %mul3A_572 : i32
        %add3A_574 = arith.constant 0 : i32
        %add3A_575 = arith.addi %mul3A_573, %add3A_574 : i32
        %get3A = arith.index_cast %select_n3A : i32 to index
        %get3A_576 = arith.index_cast %add3A_575 : i32 to index
        %get3A_577 = tpu.vector_load %arg8[%get3A, %get3A_576] {strides = array<i32>} : memref<8x2048xf32, #tpu.memory_space<vmem>>, vector<1x16xf32>,
        %get3A_578 = vector.shape_cast %get3A_577 : vector<1x16xf32> to vector<16xf32>
        %swap3A = arith.index_cast %select_n3A : i32 to index
        %swap3A_579 = arith.index_cast %add3A_575 : i32 to index
        %swap3A_580 = tpu.vector_load %arg10[%swap3A, %swap3A_579] {strides = array<i32>} : memref<8x2048xf32, #tpu.memory_space<vmem>>, vector<1x16xf32>,
        %swap3A_581 = vector.shape_cast %swap3A_580 : vector<1x16xf32> to vector<16xf32>
        %swap3A_582 = vector.shape_cast %get3A_578 : vector<16xf32> to vector<1x16xf32>
        tpu.vector_store %arg10[%swap3A, %swap3A_579], %swap3A_582 {add = true, strides = array<i32>} : memref<8x2048xf32, #tpu.memory_space<vmem>>, vector<1x16xf32>,
        %add3A_583 = arith.constant 16 : i32
        %add3A_584 = arith.addi %mul3A_573, %add3A_583 : i32
        %get3A_585 = arith.index_cast %select_n3A : i32 to index
        %get3A_586 = arith.index_cast %add3A_584 : i32 to index
        %get3A_587 = tpu.vector_load %arg8[%get3A_585, %get3A_586] {strides = array<i32>} : memref<8x2048xf32, #tpu.memory_space<vmem>>, vector<1x16xf32>,
        %get3A_588 = vector.shape_cast %get3A_587 : vector<1x16xf32> to vector<16xf32>
        %swap3A_589 = arith.index_cast %select_n3A : i32 to index
        %swap3A_590 = arith.index_cast %add3A_584 : i32 to index
        %swap3A_591 = tpu.vector_load %arg10[%swap3A_589, %swap3A_590] {strides = array<i32>} : memref<8x2048xf32, #tpu.memory_space<vmem>>, vector<1x16xf32>,
        %swap3A_592 = vector.shape_cast %swap3A_591 : vector<1x16xf32> to vector<16xf32>
        %swap3A_593 = vector.shape_cast %get3A_588 : vector<16xf32> to vector<1x16xf32>
        tpu.vector_store %arg10[%swap3A_589, %swap3A_590], %swap3A_593 {add = true, strides = array<i32>} : memref<8x2048xf32, #tpu.memory_space<vmem>>, vector<1x16xf32>,
        %add3A_594 = arith.constant 32 : i32
        %add3A_595 = arith.addi %mul3A_573, %add3A_594 : i32
        %get3A_596 = arith.index_cast %select_n3A : i32 to index
        %get3A_597 = arith.index_cast %add3A_595 : i32 to index
        %get3A_598 = tpu.vector_load %arg8[%get3A_596, %get3A_597] {strides = array<i32>} : memref<8x2048xf32, #tpu.memory_space<vmem>>, vector<1x16xf32>,
        %get3A_599 = vector.shape_cast %get3A_598 : vector<1x16xf32> to vector<16xf32>
        %swap3A_600 = arith.index_cast %select_n3A : i32 to index
        %swap3A_601 = arith.index_cast %add3A_595 : i32 to index
        %swap3A_602 = tpu.vector_load %arg10[%swap3A_600, %swap3A_601] {strides = array<i32>} : memref<8x2048xf32, #tpu.memory_space<vmem>>, vector<1x16xf32>,
        %swap3A_603 = vector.shape_cast %swap3A_602 : vector<1x16xf32> to vector<16xf32>
        %swap3A_604 = vector.shape_cast %get3A_599 : vector<16xf32> to vector<1x16xf32>
        tpu.vector_store %arg10[%swap3A_600, %swap3A_601], %swap3A_604 {add = true, strides = array<i32>} : memref<8x2048xf32, #tpu.memory_space<vmem>>, vector<1x16xf32>,
        %add3A_605 = arith.constant 48 : i32
        %add3A_606 = arith.addi %mul3A_573, %add3A_605 : i32
        %get3A_607 = arith.index_cast %select_n3A : i32 to index
        %get3A_608 = arith.index_cast %add3A_606 : i32 to index
        %get3A_609 = tpu.vector_load %arg8[%get3A_607, %get3A_608] {strides = array<i32>} : memref<8x2048xf32, #tpu.memory_space<vmem>>, vector<1x16xf32>,
        %get3A_610 = vector.shape_cast %get3A_609 : vector<1x16xf32> to vector<16xf32>
        %swap3A_611 = arith.index_cast %select_n3A : i32 to index
        %swap3A_612 = arith.index_cast %add3A_606 : i32 to index
        %swap3A_613 = tpu.vector_load %arg10[%swap3A_611, %swap3A_612] {strides = array<i32>} : memref<8x2048xf32, #tpu.memory_space<vmem>>, vector<1x16xf32>,
        %swap3A_614 = vector.shape_cast %swap3A_613 : vector<1x16xf32> to vector<16xf32>
        %swap3A_615 = vector.shape_cast %get3A_610 : vector<16xf32> to vector<1x16xf32>
        tpu.vector_store %arg10[%swap3A_611, %swap3A_612], %swap3A_615 {add = true, strides = array<i32>} : memref<8x2048xf32, #tpu.memory_space<vmem>>, vector<1x16xf32>,
        %scan3A_616 = arith.constant 0 : i32
        scf.yield %scan3A_616 : i32
      }
      %scan3A_433 = arith.constant 256 : i32
      %mul3A_434 = arith.constant 8 : i32
      %mul3A_435 = arith.muli %add3A_358, %mul3A_434 : i32
      %add3A_436 = arith.addi %mul3A_2, %mul3A_435 : i32
      %dma_start3A_437 = arith.constant 1 : i32
      %dma_start3A_438 = arith.constant 0 : i32
      %dma_start3A_439 = tpu.memref_slice %arg5[%dma_start3A_437, %add3A_436, %dma_start3A_438] : memref<4x2048x2048xf32, #tpu.memory_space<hbm>> -> memref<1x8x2048xf32, #tpu.memory_space<hbm>>
      %dma_start3A_440 = tpu.memref_squeeze %dma_start3A_439 : memref<1x8x2048xf32, #tpu.memory_space<hbm>> -> memref<8x2048xf32, #tpu.memory_space<hbm>>
      %dma_start3A_441 = arith.constant 0 : i32
      %dma_start3A_442 = tpu.memref_slice %arg5[%dma_start3A_437, %add3A_436, %dma_start3A_441] : memref<4x2048x2048xf32, #tpu.memory_space<hbm>> -> memref<1x8x2048xf32, #tpu.memory_space<hbm>>
      %dma_start3A_443 = tpu.memref_squeeze %dma_start3A_442 : memref<1x8x2048xf32, #tpu.memory_space<hbm>> -> memref<8x2048xf32, #tpu.memory_space<hbm>>
      tpu.enqueue_dma source(%arg10 : memref<8x2048xf32, #tpu.memory_space<vmem>>) target(%dma_start3A_443 : memref<8x2048xf32, #tpu.memory_space<hbm>>) target_semaphore(%arg20 : memref<!tpu.dma_semaphore, #tpu.memory_space<semaphore_mem>>)
      %add3A_444 = arith.constant 4 : i32
      %add3A_445 = arith.addi %add3A_418, %add3A_444 : i32
      %sub3A_446 = arith.constant 1 : i32
      %sub3A_447 = arith.subi %add3A_445, %sub3A_446 : i32
      %lt3A_448 = arith.constant 32 : i32
      %lt3A_449 = arith.cmpi slt, %sub3A_447, %lt3A_448 : i32
      %convert_element_type3A_450 = arith.extui %lt3A_449 : i1 to i32
      %cond3A_451 = arith.constant 0 : i32
      %cond3A_452 = arith.cmpi ne, %convert_element_type3A_450, %cond3A_451 : i32
      scf.if %cond3A_452 {
        %mul3A_538 = arith.constant 8 : i32
        %mul3A_539 = arith.muli %add3A_358, %mul3A_538 : i32
        %add3A_540 = arith.addi %mul3A_2, %mul3A_539 : i32
        %dma_wait3A_541 = arith.constant 0 : i32
        %dma_wait3A_542 = arith.constant 0 : i32
        %dma_wait3A_543 = tpu.memref_slice %arg5[%dma_wait3A_541, %add3A_540, %dma_wait3A_542] : memref<4x2048x2048xf32, #tpu.memory_space<hbm>> -> memref<1x8x2048xf32, #tpu.memory_space<hbm>>
        %dma_wait3A_544 = tpu.memref_squeeze %dma_wait3A_543 : memref<1x8x2048xf32, #tpu.memory_space<hbm>> -> memref<8x2048xf32, #tpu.memory_space<hbm>>
        %dma_wait3A_545 = arith.constant 0 : i32
        %dma_wait3A_546 = tpu.memref_slice %arg5[%dma_wait3A_541, %add3A_540, %dma_wait3A_545] : memref<4x2048x2048xf32, #tpu.memory_space<hbm>> -> memref<1x8x2048xf32, #tpu.memory_space<hbm>>
        %dma_wait3A_547 = tpu.memref_squeeze %dma_wait3A_546 : memref<1x8x2048xf32, #tpu.memory_space<hbm>> -> memref<8x2048xf32, #tpu.memory_space<hbm>>
        tpu.wait_dma2 semaphore(%arg19 : memref<!tpu.dma_semaphore, #tpu.memory_space<semaphore_mem>>) src(%arg9 : memref<8x2048xf32, #tpu.memory_space<vmem>>) dst(%dma_wait3A_547 : memref<8x2048xf32, #tpu.memory_space<hbm>>)
        %mul3A_548 = arith.constant 2 : i32
        %mul3A_549 = arith.muli %mul3A_548, %scan3A_136 : i32
        %add3A_550 = arith.constant 2 : i32
        %add3A_551 = arith.addi %mul3A_549, %add3A_550 : i32
        %mul3A_552 = arith.constant 8 : i32
        %mul3A_553 = arith.muli %add3A_551, %mul3A_552 : i32
        %add3A_554 = arith.constant 0 : i32
        %add3A_555 = arith.addi %add3A_554, %mul3A_553 : i32
        %dma_start3A_556 = tpu.memref_slice %arg6[%add3A_555] : memref<256xi32, #tpu.memory_space<vmem>> -> memref<8xi32, #tpu.memory_space<vmem>>
        %dma_start3A_557 = arith.constant 0 : i32
        %dma_start3A_558 = arith.constant 0 : i32
        %dma_start3A_559 = tpu.memref_slice %arg3[%dma_start3A_557, %dma_start3A_558] : memref<50257x2048xf32, #tpu.memory_space<hbm>> -> memref<50257x2048xf32, #tpu.memory_space<hbm>>
        tpu.enqueue_indirect_dma source(%dma_start3A_559 : memref<50257x2048xf32, #tpu.memory_space<hbm>>) target(%arg9 : memref<8x2048xf32, #tpu.memory_space<vmem>>) offsets(%dma_start3A_556 : memref<8xi32, #tpu.memory_space<vmem>>) semaphore(%arg15 : memref<!tpu.dma_semaphore, #tpu.memory_space<semaphore_mem>>)
      } else {
      }
      %mul3A_453 = arith.constant 2 : i32
      %mul3A_454 = arith.muli %mul3A_453, %scan3A_136 : i32
      %add3A_455 = arith.constant 1 : i32
      %add3A_456 = arith.addi %mul3A_454, %add3A_455 : i32
      %mul3A_457 = arith.constant 4 : i32
      %mul3A_458 = arith.muli %mul3A_457, %add3A_456 : i32
      %add3A_459 = arith.constant 2 : i32
      %add3A_460 = arith.addi %mul3A_458, %add3A_459 : i32
      %mul3A_461 = arith.constant 8 : i32
      %mul3A_462 = arith.muli %add3A_358, %mul3A_461 : i32
      %add3A_463 = arith.constant 128 : i32
      %add3A_464 = arith.addi %add3A_463, %mul3A_462 : i32
      %dma_wait3A_465 = tpu.memref_slice %arg6[%add3A_464] : memref<256xi32, #tpu.memory_space<vmem>> -> memref<8xi32, #tpu.memory_space<vmem>>
      %dma_wait3A_466 = arith.constant 0 : i32
      %dma_wait3A_467 = arith.constant 0 : i32
      %dma_wait3A_468 = tpu.memref_slice %arg3[%dma_wait3A_466, %dma_wait3A_467] : memref<50257x2048xf32, #tpu.memory_space<hbm>> -> memref<50257x2048xf32, #tpu.memory_space<hbm>>
      tpu.wait_indirect_dma semaphore(%arg17 : memref<!tpu.dma_semaphore, #tpu.memory_space<semaphore_mem>>) src(%dma_wait3A_468 : memref<50257x2048xf32, #tpu.memory_space<hbm>>) dst(%arg11 : memref<8x2048xf32, #tpu.memory_space<vmem>>)
      %scan3A_469 = arith.constant 0 : i32
      %scan3A_470 = arith.constant 0 : i32
      %scan3A_471 = arith.constant 256 : i32
      %scan3A_472 = arith.addi %scan3A_470, %scan3A_471 : i32
      %scan3A_473 = arith.constant 1 : i32
      %scan3A_474 = scf.for %scan3A_538 = %scan3A_470 to %scan3A_472 step %scan3A_473 iter_args(%scan3A_539 = %scan3A_469) -> (i32)  : i32 {
        %jit3A = arith.constant 32 : i32
        %div3A = arith.divsi %scan3A_538, %jit3A : i32
        %sign3A = arith.constant 0 : i32
        %sign3A_540 = arith.cmpi sgt, %scan3A_538, %sign3A : i32
        %sign3A_541 = arith.extui %sign3A_540 : i1 to i32
        %sign3A_542 = arith.constant 0 : i32
        %sign3A_543 = arith.cmpi slt, %scan3A_538, %sign3A_542 : i32
        %sign3A_544 = arith.extui %sign3A_543 : i1 to i32
        %sign3A_545 = arith.subi %sign3A_541, %sign3A_544 : i32
        %sign3A_546 = arith.constant 0 : i32
        %sign3A_547 = arith.cmpi sgt, %jit3A, %sign3A_546 : i32
        %sign3A_548 = arith.extui %sign3A_547 : i1 to i32
        %sign3A_549 = arith.constant 0 : i32
        %sign3A_550 = arith.cmpi slt, %jit3A, %sign3A_549 : i32
        %sign3A_551 = arith.extui %sign3A_550 : i1 to i32
        %sign3A_552 = arith.subi %sign3A_548, %sign3A_551 : i32
        %ne3A = arith.cmpi ne, %sign3A_545, %sign3A_552 : i32
        %rem3A = arith.remsi %scan3A_538, %jit3A : i32
        %ne3A_553 = arith.constant 0 : i32
        %ne3A_554 = arith.cmpi ne, %rem3A, %ne3A_553 : i32
        %and3A = arith.andi %ne3A, %ne3A_554 : i1
        %sub3A_555 = arith.constant 1 : i32
        %sub3A_556 = arith.subi %div3A, %sub3A_555 : i32
        %select_n3A = arith.select %and3A, %sub3A_556, %div3A : i32
        %jit3A_557 = arith.constant 32 : i32
        %eq3A = arith.constant 0 : i32
        %eq3A_558 = arith.cmpi eq, %jit3A_557, %eq3A : i32
        %jit3A_559 = arith.constant 1 : i32
        %select_n3A_560 = arith.select %eq3A_558, %jit3A_559, %jit3A_557 : i32
        %rem3A_561 = arith.remsi %scan3A_538, %select_n3A_560 : i32
        %ne3A_562 = arith.constant 0 : i32
        %ne3A_563 = arith.cmpi ne, %rem3A_561, %ne3A_562 : i32
        %lt3A_564 = arith.constant 0 : i32
        %lt3A_565 = arith.cmpi slt, %rem3A_561, %lt3A_564 : i32
        %lt3A_566 = arith.constant 0 : i32
        %lt3A_567 = arith.cmpi slt, %select_n3A_560, %lt3A_566 : i32
        %ne3A_568 = arith.xori %lt3A_565, %lt3A_567 : i1
        %and3A_569 = arith.andi %ne3A_568, %ne3A_563 : i1
        %add3A_570 = arith.addi %rem3A_561, %select_n3A_560 : i32
        %select_n3A_571 = arith.select %and3A_569, %add3A_570, %rem3A_561 : i32
        %mul3A_572 = arith.constant 64 : i32
        %mul3A_573 = arith.muli %select_n3A_571, %mul3A_572 : i32
        %add3A_574 = arith.constant 0 : i32
        %add3A_575 = arith.addi %mul3A_573, %add3A_574 : i32
        %get3A = arith.index_cast %select_n3A : i32 to index
        %get3A_576 = arith.index_cast %add3A_575 : i32 to index
        %get3A_577 = tpu.vector_load %arg8[%get3A, %get3A_576] {strides = array<i32>} : memref<8x2048xf32, #tpu.memory_space<vmem>>, vector<1x16xf32>,
        %get3A_578 = vector.shape_cast %get3A_577 : vector<1x16xf32> to vector<16xf32>
        %swap3A = arith.index_cast %select_n3A : i32 to index
        %swap3A_579 = arith.index_cast %add3A_575 : i32 to index
        %swap3A_580 = tpu.vector_load %arg11[%swap3A, %swap3A_579] {strides = array<i32>} : memref<8x2048xf32, #tpu.memory_space<vmem>>, vector<1x16xf32>,
        %swap3A_581 = vector.shape_cast %swap3A_580 : vector<1x16xf32> to vector<16xf32>
        %swap3A_582 = vector.shape_cast %get3A_578 : vector<16xf32> to vector<1x16xf32>
        tpu.vector_store %arg11[%swap3A, %swap3A_579], %swap3A_582 {add = true, strides = array<i32>} : memref<8x2048xf32, #tpu.memory_space<vmem>>, vector<1x16xf32>,
        %add3A_583 = arith.constant 16 : i32
        %add3A_584 = arith.addi %mul3A_573, %add3A_583 : i32
        %get3A_585 = arith.index_cast %select_n3A : i32 to index
        %get3A_586 = arith.index_cast %add3A_584 : i32 to index
        %get3A_587 = tpu.vector_load %arg8[%get3A_585, %get3A_586] {strides = array<i32>} : memref<8x2048xf32, #tpu.memory_space<vmem>>, vector<1x16xf32>,
        %get3A_588 = vector.shape_cast %get3A_587 : vector<1x16xf32> to vector<16xf32>
        %swap3A_589 = arith.index_cast %select_n3A : i32 to index
        %swap3A_590 = arith.index_cast %add3A_584 : i32 to index
        %swap3A_591 = tpu.vector_load %arg11[%swap3A_589, %swap3A_590] {strides = array<i32>} : memref<8x2048xf32, #tpu.memory_space<vmem>>, vector<1x16xf32>,
        %swap3A_592 = vector.shape_cast %swap3A_591 : vector<1x16xf32> to vector<16xf32>
        %swap3A_593 = vector.shape_cast %get3A_588 : vector<16xf32> to vector<1x16xf32>
        tpu.vector_store %arg11[%swap3A_589, %swap3A_590], %swap3A_593 {add = true, strides = array<i32>} : memref<8x2048xf32, #tpu.memory_space<vmem>>, vector<1x16xf32>,
        %add3A_594 = arith.constant 32 : i32
        %add3A_595 = arith.addi %mul3A_573, %add3A_594 : i32
        %get3A_596 = arith.index_cast %select_n3A : i32 to index
        %get3A_597 = arith.index_cast %add3A_595 : i32 to index
        %get3A_598 = tpu.vector_load %arg8[%get3A_596, %get3A_597] {strides = array<i32>} : memref<8x2048xf32, #tpu.memory_space<vmem>>, vector<1x16xf32>,
        %get3A_599 = vector.shape_cast %get3A_598 : vector<1x16xf32> to vector<16xf32>
        %swap3A_600 = arith.index_cast %select_n3A : i32 to index
        %swap3A_601 = arith.index_cast %add3A_595 : i32 to index
        %swap3A_602 = tpu.vector_load %arg11[%swap3A_600, %swap3A_601] {strides = array<i32>} : memref<8x2048xf32, #tpu.memory_space<vmem>>, vector<1x16xf32>,
        %swap3A_603 = vector.shape_cast %swap3A_602 : vector<1x16xf32> to vector<16xf32>
        %swap3A_604 = vector.shape_cast %get3A_599 : vector<16xf32> to vector<1x16xf32>
        tpu.vector_store %arg11[%swap3A_600, %swap3A_601], %swap3A_604 {add = true, strides = array<i32>} : memref<8x2048xf32, #tpu.memory_space<vmem>>, vector<1x16xf32>,
        %add3A_605 = arith.constant 48 : i32
        %add3A_606 = arith.addi %mul3A_573, %add3A_605 : i32
        %get3A_607 = arith.index_cast %select_n3A : i32 to index
        %get3A_608 = arith.index_cast %add3A_606 : i32 to index
        %get3A_609 = tpu.vector_load %arg8[%get3A_607, %get3A_608] {strides = array<i32>} : memref<8x2048xf32, #tpu.memory_space<vmem>>, vector<1x16xf32>,
        %get3A_610 = vector.shape_cast %get3A_609 : vector<1x16xf32> to vector<16xf32>
        %swap3A_611 = arith.index_cast %select_n3A : i32 to index
        %swap3A_612 = arith.index_cast %add3A_606 : i32 to index
        %swap3A_613 = tpu.vector_load %arg11[%swap3A_611, %swap3A_612] {strides = array<i32>} : memref<8x2048xf32, #tpu.memory_space<vmem>>, vector<1x16xf32>,
        %swap3A_614 = vector.shape_cast %swap3A_613 : vector<1x16xf32> to vector<16xf32>
        %swap3A_615 = vector.shape_cast %get3A_610 : vector<16xf32> to vector<1x16xf32>
        tpu.vector_store %arg11[%swap3A_611, %swap3A_612], %swap3A_615 {add = true, strides = array<i32>} : memref<8x2048xf32, #tpu.memory_space<vmem>>, vector<1x16xf32>,
        %scan3A_616 = arith.constant 0 : i32
        scf.yield %scan3A_616 : i32
      }
      %scan3A_475 = arith.constant 256 : i32
      %mul3A_476 = arith.constant 8 : i32
      %mul3A_477 = arith.muli %add3A_358, %mul3A_476 : i32
      %add3A_478 = arith.addi %mul3A_2, %mul3A_477 : i32
      %dma_start3A_479 = arith.constant 2 : i32
      %dma_start3A_480 = arith.constant 0 : i32
      %dma_start3A_481 = tpu.memref_slice %arg5[%dma_start3A_479, %add3A_478, %dma_start3A_480] : memref<4x2048x2048xf32, #tpu.memory_space<hbm>> -> memref<1x8x2048xf32, #tpu.memory_space<hbm>>
      %dma_start3A_482 = tpu.memref_squeeze %dma_start3A_481 : memref<1x8x2048xf32, #tpu.memory_space<hbm>> -> memref<8x2048xf32, #tpu.memory_space<hbm>>
      %dma_start3A_483 = arith.constant 0 : i32
      %dma_start3A_484 = tpu.memref_slice %arg5[%dma_start3A_479, %add3A_478, %dma_start3A_483] : memref<4x2048x2048xf32, #tpu.memory_space<hbm>> -> memref<1x8x2048xf32, #tpu.memory_space<hbm>>
      %dma_start3A_485 = tpu.memref_squeeze %dma_start3A_484 : memref<1x8x2048xf32, #tpu.memory_space<hbm>> -> memref<8x2048xf32, #tpu.memory_space<hbm>>
      tpu.enqueue_dma source(%arg11 : memref<8x2048xf32, #tpu.memory_space<vmem>>) target(%dma_start3A_485 : memref<8x2048xf32, #tpu.memory_space<hbm>>) target_semaphore(%arg21 : memref<!tpu.dma_semaphore, #tpu.memory_space<semaphore_mem>>)
      %add3A_486 = arith.constant 4 : i32
      %add3A_487 = arith.addi %add3A_460, %add3A_486 : i32
      %sub3A_488 = arith.constant 1 : i32
      %sub3A_489 = arith.subi %add3A_487, %sub3A_488 : i32
      %lt3A_490 = arith.constant 32 : i32
      %lt3A_491 = arith.cmpi slt, %sub3A_489, %lt3A_490 : i32
      %convert_element_type3A_492 = arith.extui %lt3A_491 : i1 to i32
      %cond3A_493 = arith.constant 0 : i32
      %cond3A_494 = arith.cmpi ne, %convert_element_type3A_492, %cond3A_493 : i32
      scf.if %cond3A_494 {
        %mul3A_538 = arith.constant 8 : i32
        %mul3A_539 = arith.muli %add3A_358, %mul3A_538 : i32
        %add3A_540 = arith.addi %mul3A_2, %mul3A_539 : i32
        %dma_wait3A_541 = arith.constant 1 : i32
        %dma_wait3A_542 = arith.constant 0 : i32
        %dma_wait3A_543 = tpu.memref_slice %arg5[%dma_wait3A_541, %add3A_540, %dma_wait3A_542] : memref<4x2048x2048xf32, #tpu.memory_space<hbm>> -> memref<1x8x2048xf32, #tpu.memory_space<hbm>>
        %dma_wait3A_544 = tpu.memref_squeeze %dma_wait3A_543 : memref<1x8x2048xf32, #tpu.memory_space<hbm>> -> memref<8x2048xf32, #tpu.memory_space<hbm>>
        %dma_wait3A_545 = arith.constant 0 : i32
        %dma_wait3A_546 = tpu.memref_slice %arg5[%dma_wait3A_541, %add3A_540, %dma_wait3A_545] : memref<4x2048x2048xf32, #tpu.memory_space<hbm>> -> memref<1x8x2048xf32, #tpu.memory_space<hbm>>
        %dma_wait3A_547 = tpu.memref_squeeze %dma_wait3A_546 : memref<1x8x2048xf32, #tpu.memory_space<hbm>> -> memref<8x2048xf32, #tpu.memory_space<hbm>>
        tpu.wait_dma2 semaphore(%arg20 : memref<!tpu.dma_semaphore, #tpu.memory_space<semaphore_mem>>) src(%arg10 : memref<8x2048xf32, #tpu.memory_space<vmem>>) dst(%dma_wait3A_547 : memref<8x2048xf32, #tpu.memory_space<hbm>>)
        %mul3A_548 = arith.constant 2 : i32
        %mul3A_549 = arith.muli %mul3A_548, %scan3A_136 : i32
        %add3A_550 = arith.constant 2 : i32
        %add3A_551 = arith.addi %mul3A_549, %add3A_550 : i32
        %mul3A_552 = arith.constant 8 : i32
        %mul3A_553 = arith.muli %add3A_551, %mul3A_552 : i32
        %add3A_554 = arith.constant 64 : i32
        %add3A_555 = arith.addi %add3A_554, %mul3A_553 : i32
        %dma_start3A_556 = tpu.memref_slice %arg6[%add3A_555] : memref<256xi32, #tpu.memory_space<vmem>> -> memref<8xi32, #tpu.memory_space<vmem>>
        %dma_start3A_557 = arith.constant 0 : i32
        %dma_start3A_558 = arith.constant 0 : i32
        %dma_start3A_559 = tpu.memref_slice %arg3[%dma_start3A_557, %dma_start3A_558] : memref<50257x2048xf32, #tpu.memory_space<hbm>> -> memref<50257x2048xf32, #tpu.memory_space<hbm>>
        tpu.enqueue_indirect_dma source(%dma_start3A_559 : memref<50257x2048xf32, #tpu.memory_space<hbm>>) target(%arg10 : memref<8x2048xf32, #tpu.memory_space<vmem>>) offsets(%dma_start3A_556 : memref<8xi32, #tpu.memory_space<vmem>>) semaphore(%arg16 : memref<!tpu.dma_semaphore, #tpu.memory_space<semaphore_mem>>)
      } else {
      }
      %mul3A_495 = arith.constant 2 : i32
      %mul3A_496 = arith.muli %mul3A_495, %scan3A_136 : i32
      %add3A_497 = arith.constant 1 : i32
      %add3A_498 = arith.addi %mul3A_496, %add3A_497 : i32
      %mul3A_499 = arith.constant 4 : i32
      %mul3A_500 = arith.muli %mul3A_499, %add3A_498 : i32
      %add3A_501 = arith.constant 3 : i32
      %add3A_502 = arith.addi %mul3A_500, %add3A_501 : i32
      %mul3A_503 = arith.constant 8 : i32
      %mul3A_504 = arith.muli %add3A_358, %mul3A_503 : i32
      %add3A_505 = arith.constant 192 : i32
      %add3A_506 = arith.addi %add3A_505, %mul3A_504 : i32
      %dma_wait3A_507 = tpu.memref_slice %arg6[%add3A_506] : memref<256xi32, #tpu.memory_space<vmem>> -> memref<8xi32, #tpu.memory_space<vmem>>
      %dma_wait3A_508 = arith.constant 0 : i32
      %dma_wait3A_509 = arith.constant 0 : i32
      %dma_wait3A_510 = tpu.memref_slice %arg3[%dma_wait3A_508, %dma_wait3A_509] : memref<50257x2048xf32, #tpu.memory_space<hbm>> -> memref<50257x2048xf32, #tpu.memory_space<hbm>>
      tpu.wait_indirect_dma semaphore(%arg18 : memref<!tpu.dma_semaphore, #tpu.memory_space<semaphore_mem>>) src(%dma_wait3A_510 : memref<50257x2048xf32, #tpu.memory_space<hbm>>) dst(%arg12 : memref<8x2048xf32, #tpu.memory_space<vmem>>)
      %scan3A_511 = arith.constant 0 : i32
      %scan3A_512 = arith.constant 0 : i32
      %scan3A_513 = arith.constant 256 : i32
      %scan3A_514 = arith.addi %scan3A_512, %scan3A_513 : i32
      %scan3A_515 = arith.constant 1 : i32
      %scan3A_516 = scf.for %scan3A_538 = %scan3A_512 to %scan3A_514 step %scan3A_515 iter_args(%scan3A_539 = %scan3A_511) -> (i32)  : i32 {
        %jit3A = arith.constant 32 : i32
        %div3A = arith.divsi %scan3A_538, %jit3A : i32
        %sign3A = arith.constant 0 : i32
        %sign3A_540 = arith.cmpi sgt, %scan3A_538, %sign3A : i32
        %sign3A_541 = arith.extui %sign3A_540 : i1 to i32
        %sign3A_542 = arith.constant 0 : i32
        %sign3A_543 = arith.cmpi slt, %scan3A_538, %sign3A_542 : i32
        %sign3A_544 = arith.extui %sign3A_543 : i1 to i32
        %sign3A_545 = arith.subi %sign3A_541, %sign3A_544 : i32
        %sign3A_546 = arith.constant 0 : i32
        %sign3A_547 = arith.cmpi sgt, %jit3A, %sign3A_546 : i32
        %sign3A_548 = arith.extui %sign3A_547 : i1 to i32
        %sign3A_549 = arith.constant 0 : i32
        %sign3A_550 = arith.cmpi slt, %jit3A, %sign3A_549 : i32
        %sign3A_551 = arith.extui %sign3A_550 : i1 to i32
        %sign3A_552 = arith.subi %sign3A_548, %sign3A_551 : i32
        %ne3A = arith.cmpi ne, %sign3A_545, %sign3A_552 : i32
        %rem3A = arith.remsi %scan3A_538, %jit3A : i32
        %ne3A_553 = arith.constant 0 : i32
        %ne3A_554 = arith.cmpi ne, %rem3A, %ne3A_553 : i32
        %and3A = arith.andi %ne3A, %ne3A_554 : i1
        %sub3A_555 = arith.constant 1 : i32
        %sub3A_556 = arith.subi %div3A, %sub3A_555 : i32
        %select_n3A = arith.select %and3A, %sub3A_556, %div3A : i32
        %jit3A_557 = arith.constant 32 : i32
        %eq3A = arith.constant 0 : i32
        %eq3A_558 = arith.cmpi eq, %jit3A_557, %eq3A : i32
        %jit3A_559 = arith.constant 1 : i32
        %select_n3A_560 = arith.select %eq3A_558, %jit3A_559, %jit3A_557 : i32
        %rem3A_561 = arith.remsi %scan3A_538, %select_n3A_560 : i32
        %ne3A_562 = arith.constant 0 : i32
        %ne3A_563 = arith.cmpi ne, %rem3A_561, %ne3A_562 : i32
        %lt3A_564 = arith.constant 0 : i32
        %lt3A_565 = arith.cmpi slt, %rem3A_561, %lt3A_564 : i32
        %lt3A_566 = arith.constant 0 : i32
        %lt3A_567 = arith.cmpi slt, %select_n3A_560, %lt3A_566 : i32
        %ne3A_568 = arith.xori %lt3A_565, %lt3A_567 : i1
        %and3A_569 = arith.andi %ne3A_568, %ne3A_563 : i1
        %add3A_570 = arith.addi %rem3A_561, %select_n3A_560 : i32
        %select_n3A_571 = arith.select %and3A_569, %add3A_570, %rem3A_561 : i32
        %mul3A_572 = arith.constant 64 : i32
        %mul3A_573 = arith.muli %select_n3A_571, %mul3A_572 : i32
        %add3A_574 = arith.constant 0 : i32
        %add3A_575 = arith.addi %mul3A_573, %add3A_574 : i32
        %get3A = arith.index_cast %select_n3A : i32 to index
        %get3A_576 = arith.index_cast %add3A_575 : i32 to index
        %get3A_577 = tpu.vector_load %arg8[%get3A, %get3A_576] {strides = array<i32>} : memref<8x2048xf32, #tpu.memory_space<vmem>>, vector<1x16xf32>,
        %get3A_578 = vector.shape_cast %get3A_577 : vector<1x16xf32> to vector<16xf32>
        %swap3A = arith.index_cast %select_n3A : i32 to index
        %swap3A_579 = arith.index_cast %add3A_575 : i32 to index
        %swap3A_580 = tpu.vector_load %arg12[%swap3A, %swap3A_579] {strides = array<i32>} : memref<8x2048xf32, #tpu.memory_space<vmem>>, vector<1x16xf32>,
        %swap3A_581 = vector.shape_cast %swap3A_580 : vector<1x16xf32> to vector<16xf32>
        %swap3A_582 = vector.shape_cast %get3A_578 : vector<16xf32> to vector<1x16xf32>
        tpu.vector_store %arg12[%swap3A, %swap3A_579], %swap3A_582 {add = true, strides = array<i32>} : memref<8x2048xf32, #tpu.memory_space<vmem>>, vector<1x16xf32>,
        %add3A_583 = arith.constant 16 : i32
        %add3A_584 = arith.addi %mul3A_573, %add3A_583 : i32
        %get3A_585 = arith.index_cast %select_n3A : i32 to index
        %get3A_586 = arith.index_cast %add3A_584 : i32 to index
        %get3A_587 = tpu.vector_load %arg8[%get3A_585, %get3A_586] {strides = array<i32>} : memref<8x2048xf32, #tpu.memory_space<vmem>>, vector<1x16xf32>,
        %get3A_588 = vector.shape_cast %get3A_587 : vector<1x16xf32> to vector<16xf32>
        %swap3A_589 = arith.index_cast %select_n3A : i32 to index
        %swap3A_590 = arith.index_cast %add3A_584 : i32 to index
        %swap3A_591 = tpu.vector_load %arg12[%swap3A_589, %swap3A_590] {strides = array<i32>} : memref<8x2048xf32, #tpu.memory_space<vmem>>, vector<1x16xf32>,
        %swap3A_592 = vector.shape_cast %swap3A_591 : vector<1x16xf32> to vector<16xf32>
        %swap3A_593 = vector.shape_cast %get3A_588 : vector<16xf32> to vector<1x16xf32>
        tpu.vector_store %arg12[%swap3A_589, %swap3A_590], %swap3A_593 {add = true, strides = array<i32>} : memref<8x2048xf32, #tpu.memory_space<vmem>>, vector<1x16xf32>,
        %add3A_594 = arith.constant 32 : i32
        %add3A_595 = arith.addi %mul3A_573, %add3A_594 : i32
        %get3A_596 = arith.index_cast %select_n3A : i32 to index
        %get3A_597 = arith.index_cast %add3A_595 : i32 to index
        %get3A_598 = tpu.vector_load %arg8[%get3A_596, %get3A_597] {strides = array<i32>} : memref<8x2048xf32, #tpu.memory_space<vmem>>, vector<1x16xf32>,
        %get3A_599 = vector.shape_cast %get3A_598 : vector<1x16xf32> to vector<16xf32>
        %swap3A_600 = arith.index_cast %select_n3A : i32 to index
        %swap3A_601 = arith.index_cast %add3A_595 : i32 to index
        %swap3A_602 = tpu.vector_load %arg12[%swap3A_600, %swap3A_601] {strides = array<i32>} : memref<8x2048xf32, #tpu.memory_space<vmem>>, vector<1x16xf32>,
        %swap3A_603 = vector.shape_cast %swap3A_602 : vector<1x16xf32> to vector<16xf32>
        %swap3A_604 = vector.shape_cast %get3A_599 : vector<16xf32> to vector<1x16xf32>
        tpu.vector_store %arg12[%swap3A_600, %swap3A_601], %swap3A_604 {add = true, strides = array<i32>} : memref<8x2048xf32, #tpu.memory_space<vmem>>, vector<1x16xf32>,
        %add3A_605 = arith.constant 48 : i32
        %add3A_606 = arith.addi %mul3A_573, %add3A_605 : i32
        %get3A_607 = arith.index_cast %select_n3A : i32 to index
        %get3A_608 = arith.index_cast %add3A_606 : i32 to index
        %get3A_609 = tpu.vector_load %arg8[%get3A_607, %get3A_608] {strides = array<i32>} : memref<8x2048xf32, #tpu.memory_space<vmem>>, vector<1x16xf32>,
        %get3A_610 = vector.shape_cast %get3A_609 : vector<1x16xf32> to vector<16xf32>
        %swap3A_611 = arith.index_cast %select_n3A : i32 to index
        %swap3A_612 = arith.index_cast %add3A_606 : i32 to index
        %swap3A_613 = tpu.vector_load %arg12[%swap3A_611, %swap3A_612] {strides = array<i32>} : memref<8x2048xf32, #tpu.memory_space<vmem>>, vector<1x16xf32>,
        %swap3A_614 = vector.shape_cast %swap3A_613 : vector<1x16xf32> to vector<16xf32>
        %swap3A_615 = vector.shape_cast %get3A_610 : vector<16xf32> to vector<1x16xf32>
        tpu.vector_store %arg12[%swap3A_611, %swap3A_612], %swap3A_615 {add = true, strides = array<i32>} : memref<8x2048xf32, #tpu.memory_space<vmem>>, vector<1x16xf32>,
        %scan3A_616 = arith.constant 0 : i32
        scf.yield %scan3A_616 : i32
      }
      %scan3A_517 = arith.constant 256 : i32
      %mul3A_518 = arith.constant 8 : i32
      %mul3A_519 = arith.muli %add3A_358, %mul3A_518 : i32
      %add3A_520 = arith.addi %mul3A_2, %mul3A_519 : i32
      %dma_start3A_521 = arith.constant 3 : i32
      %dma_start3A_522 = arith.constant 0 : i32
      %dma_start3A_523 = tpu.memref_slice %arg5[%dma_start3A_521, %add3A_520, %dma_start3A_522] : memref<4x2048x2048xf32, #tpu.memory_space<hbm>> -> memref<1x8x2048xf32, #tpu.memory_space<hbm>>
      %dma_start3A_524 = tpu.memref_squeeze %dma_start3A_523 : memref<1x8x2048xf32, #tpu.memory_space<hbm>> -> memref<8x2048xf32, #tpu.memory_space<hbm>>
      %dma_start3A_525 = arith.constant 0 : i32
      %dma_start3A_526 = tpu.memref_slice %arg5[%dma_start3A_521, %add3A_520, %dma_start3A_525] : memref<4x2048x2048xf32, #tpu.memory_space<hbm>> -> memref<1x8x2048xf32, #tpu.memory_space<hbm>>
      %dma_start3A_527 = tpu.memref_squeeze %dma_start3A_526 : memref<1x8x2048xf32, #tpu.memory_space<hbm>> -> memref<8x2048xf32, #tpu.memory_space<hbm>>
      tpu.enqueue_dma source(%arg12 : memref<8x2048xf32, #tpu.memory_space<vmem>>) target(%dma_start3A_527 : memref<8x2048xf32, #tpu.memory_space<hbm>>) target_semaphore(%arg22 : memref<!tpu.dma_semaphore, #tpu.memory_space<semaphore_mem>>)
      %add3A_528 = arith.constant 4 : i32
      %add3A_529 = arith.addi %add3A_502, %add3A_528 : i32
      %sub3A_530 = arith.constant 1 : i32
      %sub3A_531 = arith.subi %add3A_529, %sub3A_530 : i32
      %lt3A_532 = arith.constant 32 : i32
      %lt3A_533 = arith.cmpi slt, %sub3A_531, %lt3A_532 : i32
      %convert_element_type3A_534 = arith.extui %lt3A_533 : i1 to i32
      %cond3A_535 = arith.constant 0 : i32
      %cond3A_536 = arith.cmpi ne, %convert_element_type3A_534, %cond3A_535 : i32
      scf.if %cond3A_536 {
        %mul3A_538 = arith.constant 8 : i32
        %mul3A_539 = arith.muli %add3A_358, %mul3A_538 : i32
        %add3A_540 = arith.addi %mul3A_2, %mul3A_539 : i32
        %dma_wait3A_541 = arith.constant 2 : i32
        %dma_wait3A_542 = arith.constant 0 : i32
        %dma_wait3A_543 = tpu.memref_slice %arg5[%dma_wait3A_541, %add3A_540, %dma_wait3A_542] : memref<4x2048x2048xf32, #tpu.memory_space<hbm>> -> memref<1x8x2048xf32, #tpu.memory_space<hbm>>
        %dma_wait3A_544 = tpu.memref_squeeze %dma_wait3A_543 : memref<1x8x2048xf32, #tpu.memory_space<hbm>> -> memref<8x2048xf32, #tpu.memory_space<hbm>>
        %dma_wait3A_545 = arith.constant 0 : i32
        %dma_wait3A_546 = tpu.memref_slice %arg5[%dma_wait3A_541, %add3A_540, %dma_wait3A_545] : memref<4x2048x2048xf32, #tpu.memory_space<hbm>> -> memref<1x8x2048xf32, #tpu.memory_space<hbm>>
        %dma_wait3A_547 = tpu.memref_squeeze %dma_wait3A_546 : memref<1x8x2048xf32, #tpu.memory_space<hbm>> -> memref<8x2048xf32, #tpu.memory_space<hbm>>
        tpu.wait_dma2 semaphore(%arg21 : memref<!tpu.dma_semaphore, #tpu.memory_space<semaphore_mem>>) src(%arg11 : memref<8x2048xf32, #tpu.memory_space<vmem>>) dst(%dma_wait3A_547 : memref<8x2048xf32, #tpu.memory_space<hbm>>)
        %mul3A_548 = arith.constant 2 : i32
        %mul3A_549 = arith.muli %mul3A_548, %scan3A_136 : i32
        %add3A_550 = arith.constant 2 : i32
        %add3A_551 = arith.addi %mul3A_549, %add3A_550 : i32
        %mul3A_552 = arith.constant 8 : i32
        %mul3A_553 = arith.muli %add3A_551, %mul3A_552 : i32
        %add3A_554 = arith.constant 128 : i32
        %add3A_555 = arith.addi %add3A_554, %mul3A_553 : i32
        %dma_start3A_556 = tpu.memref_slice %arg6[%add3A_555] : memref<256xi32, #tpu.memory_space<vmem>> -> memref<8xi32, #tpu.memory_space<vmem>>
        %dma_start3A_557 = arith.constant 0 : i32
        %dma_start3A_558 = arith.constant 0 : i32
        %dma_start3A_559 = tpu.memref_slice %arg3[%dma_start3A_557, %dma_start3A_558] : memref<50257x2048xf32, #tpu.memory_space<hbm>> -> memref<50257x2048xf32, #tpu.memory_space<hbm>>
        tpu.enqueue_indirect_dma source(%dma_start3A_559 : memref<50257x2048xf32, #tpu.memory_space<hbm>>) target(%arg11 : memref<8x2048xf32, #tpu.memory_space<vmem>>) offsets(%dma_start3A_556 : memref<8xi32, #tpu.memory_space<vmem>>) semaphore(%arg17 : memref<!tpu.dma_semaphore, #tpu.memory_space<semaphore_mem>>)
      } else {
      }
      %scan3A_537 = arith.constant 0 : i32
      scf.yield %scan3A_537 : i32
    }
    %scan3A_99 = arith.constant 4 : i32
    %add3A_100 = arith.constant 56 : i32
    %add3A_101 = arith.addi %mul3A_2, %add3A_100 : i32
    %dma_wait3A_102 = arith.constant 0 : i32
    %dma_wait3A_103 = arith.constant 0 : i32
    %dma_wait3A_104 = tpu.memref_slice %arg5[%dma_wait3A_102, %add3A_101, %dma_wait3A_103] : memref<4x2048x2048xf32, #tpu.memory_space<hbm>> -> memref<1x8x2048xf32, #tpu.memory_space<hbm>>
    %dma_wait3A_105 = tpu.memref_squeeze %dma_wait3A_104 : memref<1x8x2048xf32, #tpu.memory_space<hbm>> -> memref<8x2048xf32, #tpu.memory_space<hbm>>
    %dma_wait3A_106 = arith.constant 0 : i32
    %dma_wait3A_107 = tpu.memref_slice %arg5[%dma_wait3A_102, %add3A_101, %dma_wait3A_106] : memref<4x2048x2048xf32, #tpu.memory_space<hbm>> -> memref<1x8x2048xf32, #tpu.memory_space<hbm>>
    %dma_wait3A_108 = tpu.memref_squeeze %dma_wait3A_107 : memref<1x8x2048xf32, #tpu.memory_space<hbm>> -> memref<8x2048xf32, #tpu.memory_space<hbm>>
    tpu.wait_dma2 semaphore(%arg19 : memref<!tpu.dma_semaphore, #tpu.memory_space<semaphore_mem>>) src(%arg9 : memref<8x2048xf32, #tpu.memory_space<vmem>>) dst(%dma_wait3A_108 : memref<8x2048xf32, #tpu.memory_space<hbm>>)
    %add3A_109 = arith.constant 56 : i32
    %add3A_110 = arith.addi %mul3A_2, %add3A_109 : i32
    %dma_wait3A_111 = arith.constant 1 : i32
    %dma_wait3A_112 = arith.constant 0 : i32
    %dma_wait3A_113 = tpu.memref_slice %arg5[%dma_wait3A_111, %add3A_110, %dma_wait3A_112] : memref<4x2048x2048xf32, #tpu.memory_space<hbm>> -> memref<1x8x2048xf32, #tpu.memory_space<hbm>>
    %dma_wait3A_114 = tpu.memref_squeeze %dma_wait3A_113 : memref<1x8x2048xf32, #tpu.memory_space<hbm>> -> memref<8x2048xf32, #tpu.memory_space<hbm>>
    %dma_wait3A_115 = arith.constant 0 : i32
    %dma_wait3A_116 = tpu.memref_slice %arg5[%dma_wait3A_111, %add3A_110, %dma_wait3A_115] : memref<4x2048x2048xf32, #tpu.memory_space<hbm>> -> memref<1x8x2048xf32, #tpu.memory_space<hbm>>
    %dma_wait3A_117 = tpu.memref_squeeze %dma_wait3A_116 : memref<1x8x2048xf32, #tpu.memory_space<hbm>> -> memref<8x2048xf32, #tpu.memory_space<hbm>>
    tpu.wait_dma2 semaphore(%arg20 : memref<!tpu.dma_semaphore, #tpu.memory_space<semaphore_mem>>) src(%arg10 : memref<8x2048xf32, #tpu.memory_space<vmem>>) dst(%dma_wait3A_117 : memref<8x2048xf32, #tpu.memory_space<hbm>>)
    %add3A_118 = arith.constant 56 : i32
    %add3A_119 = arith.addi %mul3A_2, %add3A_118 : i32
    %dma_wait3A_120 = arith.constant 2 : i32
    %dma_wait3A_121 = arith.constant 0 : i32
    %dma_wait3A_122 = tpu.memref_slice %arg5[%dma_wait3A_120, %add3A_119, %dma_wait3A_121] : memref<4x2048x2048xf32, #tpu.memory_space<hbm>> -> memref<1x8x2048xf32, #tpu.memory_space<hbm>>
    %dma_wait3A_123 = tpu.memref_squeeze %dma_wait3A_122 : memref<1x8x2048xf32, #tpu.memory_space<hbm>> -> memref<8x2048xf32, #tpu.memory_space<hbm>>
    %dma_wait3A_124 = arith.constant 0 : i32
    %dma_wait3A_125 = tpu.memref_slice %arg5[%dma_wait3A_120, %add3A_119, %dma_wait3A_124] : memref<4x2048x2048xf32, #tpu.memory_space<hbm>> -> memref<1x8x2048xf32, #tpu.memory_space<hbm>>
    %dma_wait3A_126 = tpu.memref_squeeze %dma_wait3A_125 : memref<1x8x2048xf32, #tpu.memory_space<hbm>> -> memref<8x2048xf32, #tpu.memory_space<hbm>>
    tpu.wait_dma2 semaphore(%arg21 : memref<!tpu.dma_semaphore, #tpu.memory_space<semaphore_mem>>) src(%arg11 : memref<8x2048xf32, #tpu.memory_space<vmem>>) dst(%dma_wait3A_126 : memref<8x2048xf32, #tpu.memory_space<hbm>>)
    %add3A_127 = arith.constant 56 : i32
    %add3A_128 = arith.addi %mul3A_2, %add3A_127 : i32
    %dma_wait3A_129 = arith.constant 3 : i32
    %dma_wait3A_130 = arith.constant 0 : i32
    %dma_wait3A_131 = tpu.memref_slice %arg5[%dma_wait3A_129, %add3A_128, %dma_wait3A_130] : memref<4x2048x2048xf32, #tpu.memory_space<hbm>> -> memref<1x8x2048xf32, #tpu.memory_space<hbm>>
    %dma_wait3A_132 = tpu.memref_squeeze %dma_wait3A_131 : memref<1x8x2048xf32, #tpu.memory_space<hbm>> -> memref<8x2048xf32, #tpu.memory_space<hbm>>
    %dma_wait3A_133 = arith.constant 0 : i32
    %dma_wait3A_134 = tpu.memref_slice %arg5[%dma_wait3A_129, %add3A_128, %dma_wait3A_133] : memref<4x2048x2048xf32, #tpu.memory_space<hbm>> -> memref<1x8x2048xf32, #tpu.memory_space<hbm>>
    %dma_wait3A_135 = tpu.memref_squeeze %dma_wait3A_134 : memref<1x8x2048xf32, #tpu.memory_space<hbm>> -> memref<8x2048xf32, #tpu.memory_space<hbm>>
    tpu.wait_dma2 semaphore(%arg22 : memref<!tpu.dma_semaphore, #tpu.memory_space<semaphore_mem>>) src(%arg12 : memref<8x2048xf32, #tpu.memory_space<vmem>>) dst(%dma_wait3A_135 : memref<8x2048xf32, #tpu.memory_space<hbm>>)
    return
  }
}

</mosaic_0001>

<sc_bundles>
// kernel: kernel.3.cloned.1.call-start
scs
__scs_entry_jumppad:
0x0: {  	(pc) =	sbr.rel $0x88, $3  }
0x1: {  	(tag) =	ssettag $0x0;
	lr =	simm.s32 $0x1  }
0x2: {  	[smem:$0x3F9D] =	sst lr;
	_ =	strace $0xD0000000  }
0x3: {  	_ = 	snop  }
0x4: {  	_ = 	snop  }
0x5: {  	_ = 	snop  }
0x6: {  	_ = 	snop  }
0x7: {  	_ = 	snop  }
__scs_overlays_trampoline_lowered:
0x8: {  	[smem:$0x3FAC] =	sst s0  }
0x9: {  	[smem:$0x3FAD] =	sst s1  }
0xa: {  	[smem:$0x3FAE] =	sst s2  }
0xb: {  	[smem:$0x3FAF] =	sst s3  }
0xc: {  	[smem:$0x3FB0] =	sst s4  }
0xd: {  	[smem:$0x3FB1] =	sst s5  }
0xe: {  	[smem:$0x3FB2] =	sst s6  }
0xf: {  	[smem:$0x3FB3] =	sst s7  }
0x10: {  	[smem:$0x3FB4] =	sst s8  }
0x11: {  	[smem:$0x3FB5] =	sst s9;
	s0 =	simm.s32 @!p0 $0x0  }
0x12: {  	s1 =	sld [smem:$0x3F9B];
	s0 =	simm.s32 @p0 $0x1  }
0x13: {  	[smem:$0x3FB6] =	sst s0;
	s0 =	simm.s32 @!p1 $0x0  }
0x14: {  	s2 =	sld [smem:$0x3F9A];
	s0 =	simm.s32 @p1 $0x1  }
0x15: {  	[smem:$0x3FB7] =	sst s0;
	s0 =	simm.s32 @!p2 $0x0  }
0x16: {  	s3 =	sld [smem:$0x3FDB];
	s0 =	simm.s32 @p2 $0x1  }
0x17: {  	s4 =	simm.s32 $0x1BF5;
	[smem:$0x3FB9] =	sst s0  }
0x18: {  	s0 =	sld [smem:$0x3F9C];
	_ =	swait.ge [sflag:s4], $0x0  }
0x19: {  	s7 =	sld [smem:$0x3F9D]  }
0x1a: {  	s8 =	sadd.s32 $0xFFFFE003, lr  }
0x1b: {  	s9 =	sadd.s32 $0xFFFFFEF7, lr;
	s5 =	simm.s32 $0xFFFFFFFF;
	p2 =	slt.u32 s8, $0xFFFFF086  }
0x1c: {  	p1 =	slt.u32 s9, $0xF7A;
	s5 =	simm.s32 @!p2 $0x0  }
0x1d: {  	s5 =	simm.s32 @p1 $0x1;
	p0 =	seq.s32 s7, s2  }
0x1e: {  	s7 =	smul.u32 @!p0 $0xF7A, s2;
	p2 =	seq.s32 @!p0 s5, $0x0  }
0x1f: {  	s9 =	smul.u32 $0xF7A, s1;
	s8 =	simm.s32 @!p0 $0x1BF5;
	p2 =	por !p2, p0  }
0x20: {  	[sflag:s8] =	ssyncset.s32 @!p0 $0xFFFFF086;
	s6 =	sadd.s32 @!p0 s3, s7;
	s7 =	simm.s32 @!p0 $0x108  }
0x21: {  	s3 =	sadd.s32 s3, s9;
	s6 =	sadd.s32 @!p0 $0x88, s6;
	s7 =	simm.s32 @p2 $0x1082  }
0x22: {  	[simem:s7], [sflag:s8] =	dma.local @!p0 [hbm:s6], $0xF7A  }
0x23: {  	s9 =	sor.u32 $0xD0000000, s2;
	s6 =	simm.s32 $0x108;
	_ =	swait.ge @!p0 [sflag:s8], $0x0  }
0x24: {  	s3 =	sadd.s32 $0x88, s3;
	s6 =	simm.s32 @!p1 $0x1082;
	[sflag:s4] =	ssyncset.s32 $0xFFFFF086  }
0x25: {  	[simem:s6], [sflag:s4] =	dma.local [hbm:s3], $0xF7A  }
0x26: {  	[smem:$0x3F9D] =	sst s1;
	(tag) =	ssettag s2;
	_ =	strace s9  }
0x27: {  	s1 =	sld [smem:$0x3FAD]  }
0x28: {  	s2 =	sld [smem:$0x3FAE]  }
0x29: {  	s4 =	sld [smem:$0x3FB0]  }
0x2a: {  	p0 =	seq.s32 s5, $0x0;
	s5 =	sld [smem:$0x3FB1]  }
0x2b: {  	s6 =	sld [smem:$0x3FB2]  }
0x2c: {  	s7 =	sld [smem:$0x3FB3]  }
0x2d: {  	s3 =	simm.s32 $0x108;
	s8 =	sld [smem:$0x3FB4]  }
0x2e: {  	s3 =	simm.s32 @!p0 $0x1082;
	s9 =	sld [smem:$0x3FB5]  }
0x2f: {  	lr =	sadd.s32 s0, s3;
	s0 =	sld [smem:$0x3FAC]  }
0x30: {  	s3 =	sld [smem:$0x3FAF]  }
0x31: {  	[smem:$0x3FB8] =	sst s10  }
0x32: {  	s10 =	sld [smem:$0x3FB6];
	_ =	sdelay $0x3  }
0x33: {  	p0 =	seq.s32 s10, $0x1;
	s10 =	sld [smem:$0x3FB8];
	_ =	sdelay $0x3  }
0x34: {  	[smem:$0x3FB8] =	sst s10  }
0x35: {  	s10 =	sld [smem:$0x3FB7];
	_ =	sdelay $0x3  }
0x36: {  	p1 =	seq.s32 s10, $0x1;
	s10 =	sld [smem:$0x3FB8];
	_ =	sdelay $0x3  }
0x37: {  	[smem:$0x3FB8] =	sst s10  }
0x38: {  	s10 =	sld [smem:$0x3FB9]  }
0x39: {  	_ = 	snop;
	(pc) =	sbr.ind lr, $3  }
0x3a: {  	_ = 	snop  }
0x3b: {  	_ = 	snop  }
0x3c: {  	p2 =	seq.s32 s10, $0x1;
	s10 =	sld [smem:$0x3FB8]  }
0x3d: {  	_ =	shalt  }
0x3e: {  	_ =	shalt  }
0x3f: {  	_ =	shalt  }
0x40: {  	_ =	shalt  }
0x41: {  	_ =	shalt  }
0x42: {  	_ =	shalt  }
0x43: {  	_ =	shalt  }
0x44: {  	_ =	shalt  }
0x45: {  	_ =	shalt  }
0x46: {  	_ =	shalt  }
0x47: {  	_ =	shalt  }
0x48: {  	_ =	shalt  }
0x49: {  	_ =	shalt  }
0x4a: {  	_ =	shalt  }
0x4b: {  	_ =	shalt  }
0x4c: {  	_ =	shalt  }
0x4d: {  	_ =	shalt  }
0x4e: {  	_ =	shalt  }
0x4f: {  	_ =	shalt  }
0x50: {  	_ =	shalt  }
0x51: {  	_ =	shalt  }
0x52: {  	_ =	shalt  }
0x53: {  	_ =	shalt  }
0x54: {  	_ =	shalt  }
0x55: {  	_ =	shalt  }
0x56: {  	_ =	shalt  }
0x57: {  	_ =	shalt  }
0x58: {  	_ =	shalt  }
0x59: {  	_ =	shalt  }
0x5a: {  	_ =	shalt  }
0x5b: {  	_ =	shalt  }
0x5c: {  	_ =	shalt  }
0x5d: {  	_ =	shalt  }
0x5e: {  	_ =	shalt  }
0x5f: {  	_ =	shalt  }
0x60: {  	_ =	shalt  }
0x61: {  	_ =	shalt  }
0x62: {  	_ =	shalt  }
0x63: {  	_ =	shalt  }
0x64: {  	_ =	shalt  }
0x65: {  	_ =	shalt  }
0x66: {  	_ =	shalt  }
0x67: {  	_ =	shalt  }
0x68: {  	_ =	shalt  }
0x69: {  	_ =	shalt  }
0x6a: {  	_ =	shalt  }
0x6b: {  	_ =	shalt  }
0x6c: {  	_ =	shalt  }
0x6d: {  	_ =	shalt  }
0x6e: {  	_ =	shalt  }
0x6f: {  	_ =	shalt  }
0x70: {  	_ =	shalt  }
0x71: {  	_ =	shalt  }
0x72: {  	_ =	shalt  }
0x73: {  	_ =	shalt  }
0x74: {  	_ =	shalt  }
0x75: {  	_ =	shalt  }
0x76: {  	_ =	shalt  }
0x77: {  	_ =	shalt  }
0x78: {  	_ =	shalt  }
0x79: {  	_ =	shalt  }
0x7a: {  	_ =	shalt  }
0x7b: {  	_ =	shalt  }
0x7c: {  	_ =	shalt  }
0x7d: {  	_ =	shalt  }
0x7e: {  	_ =	shalt  }
0x7f: {  	_ =	shalt  }
0x80: {  	_ =	shalt  }
0x81: {  	_ =	shalt  }
0x82: {  	_ =	shalt  }
0x83: {  	_ =	shalt  }
0x84: {  	_ =	shalt  }
0x85: {  	_ =	shalt  }
0x86: {  	_ =	shalt  }
0x87: {  	_ =	shalt  }
.Lfunc_end0:
.L_simem_size_0:
called_computation_lowered:
.L_overlay_start_0:
0x88: {  	s2 =	sld [smem:$0x3FD9]  }
0x89: {  	s3 =	sld [smem:$0x3FFE];
	_ =	sdelay $0x1  }
0x8a: {  	s1 =	srdreg.scid  }
0x8b: {  	s0 =	sand.u32 $0x1, s1  }
0x8c: {  	s15 =	sshll.u32 s0, $0xA;
	s2 =	sadd.s32 s3, s2  }
0x8d: {  	s2 =	sadd.s32 s2, s15  }
0x8e: {  	[smem:$0x3FC4] =	sst s2  }
0x8f: {  	_ = 	snop  }
0x90: {  	s2 =	sld [smem:$0x3FD0]  }
0x91: {  	s16 =	sld [smem:$0x3FC9]  }
0x92: {  	s4 =	sld [smem:$0x3FC7]  }
0x93: {  	s6 =	simm.s32 $0xA;
	s7 =	simm.s32 $0x10;
	s5 =	sld [smem:$0x3FC6]  }
0x94: {  	[smem:s7], [sflag:s6] =	dma.local [hbm:s2], $0x1  }
0x95: {  	_ =	swait.eq [sflag:s6], $0x1  }
0x96: {  	[sflag:s6] =	ssyncset.done $0x0  }
0x97: {  	[sflag:s6] =	ssyncadd.s32 $0xFFFFFFFF  }
0x98: {  	s17 =	sld [smem:$0x10];
	(tm) =	ssettm $0x1  }
0x99: {  	s18 =	sld [smem:$0x3FFB];
	_ =	sdelay $0x3  }
0x9a: {  	_ =	strace s18  }
0x9b: {  	s6 =	sld [smem:$0x3FFC];
	_ =	sdelay $0x3  }
0x9c: {  	_ =	strace s6  }
0x9d: {  	s6 =	sld [smem:$0x3FFD];
	_ =	sdelay $0x3  }
0x9e: {  	_ =	strace s6  }
0x9f: {  	_ =	strace $0x8FFFFFFF  }
0xa0: {  	s19 =	sld [smem:$0x3FDB];
	_ =	sdelay $0x1  }
0xa1: {  	s20 =	simm.s32 $_scs_section_size  }
0xa2: {  	s8 =	simm.s32 $_size__tile_overlayer_lowered;
	s9 =	simm.s32 $_tile_overlayer_lowered  }
0xa3: {  	s23 =	simm.s32 $0x1BFF;
	s22 =	sshll.u32 s9, $0x1;
	s6 =	sadd.s32 s20, s19  }
0xa4: {  	s10 =	simm.s32 $0x0;
	s21 =	sshll.u32 s8, $0x1;
	s8 =	sadd.s32 s22, s6  }
0xa5: {  	[timem:s10], [sflag:s23] =	dma.local [hbm:s8], s21  }
0xa6: {  	_ =	swait.ge [sflag:s23], s21  }
0xa7: {  	s7 =	ssub.s32 $0x0, s21;
	[sflag:s23] =	ssyncset.done $0x0  }
0xa8: {  	[sflag:s23] =	ssyncadd.s32 s7;
	_ =	sdelay $0x1  }
0xa9: {  	s24 =	simm.s32 $0x1B8B  }
0xaa: {  	_ =	swait.ge [sflag:s24], $0x1  }
0xab: {  	[sflag:s24] =	ssyncset.done $0x0  }
0xac: {  	s25 =	simm.s32 $0x1B8E;
	[sflag:s24] =	ssyncadd.s32 $0xFFFFFFFF  }
0xad: {  	s26 =	simm.s32 $execute0_lowered;
	[smem:$0x3FD2] =	sst s25  }
0xae: {  	s7 =	sshll.u32 s26, $0x1;
	_ =	strace $0x80000046;
	[dreg:$0x1] =	wrdreg $0xFFFFFFFF  }
0xaf: {  	s28 =	simm.s32 $_size_execute0_lowered;
	s6 =	sadd.s32 s6, s7;
	[dreg:$0x0] =	wrdreg $0x0  }
0xb0: {  	s7 =	sshll.u32 s28, $0x1;
	[dreg:$0x2] =	wrdreg s6  }
0xb1: {  	[dreg:$0x3] =	wrdreg s7  }
0xb2: {  	[dreg:$0x4] =	wrdreg $0xC0  }
0xb3: {  	_ =	task [dreg:s10], $0x5FFFF  }
0xb4: {  	[dreg:$0x1] =	wrdreg $0xFFFFFFFF  }
0xb5: {  	[dreg:$0x0] =	wrdreg $0x60  }
0xb6: {  	[dreg:$0x2] =	wrdreg s16  }
0xb7: {  	[dreg:$0x3] =	wrdreg s4  }
0xb8: {  	[dreg:$0x4] =	wrdreg s5  }
0xb9: {  	[dreg:$0x5] =	wrdreg s17  }
0xba: {  	[dreg:$0x6] =	wrdreg $0x9  }
0xbb: {  	_ =	task.clear_ibuf [dreg:s10], $0x7FFFF;
	_ =	strace $0x90000046  }
0xbc: {  	s29 =	simm.s32 $0x9;
	_ =	strace $0x80000048  }
0xbd: {  	_ =	swait.ge [sflag:s29], $0x1  }
0xbe: {  	[sflag:s29] =	ssyncadd.s32 $0xFFFFFFFF  }
0xbf: {  	_ =	strace $0x90000048  }
0xc0: {  	_ =	sfence  }
0xc1: {  	s30 =	sld [smem:$0x0];
	_ =	sdelay $0x2  }
0xc2: {  	s31 =	sshll.u32 s1, $0xD;
	s1 =	sshrl.u32 s1, $0x2  }
0xc3: {  	s3 =	sand.u32 $0x4000, s31;
	s1 =	sadd.s32 s1, s30  }
0xc4: {  	s0 =	sor.u32 s3, s0;
	s1 =	sshll.u32 s1, $0x11  }
0xc5: {  	s0 =	sor.u32 s1, s0  }
0xc6: {  	s0 =	sadd.s32 $0x8F2B, s0  }
0xc7: {  	[sflag:s0] =	ssyncadd.remote.s32 $0x1  }
0xc8: {  	_ =	sfence.sel $0xFFFF  }
0xc9: {  	[dreg:$0x0] =	wrdreg $0xFFFFFFFF;
	(pc) =	sbr.abs _section_cstart, $3  }
0xca: {  	[dreg:$0x1] =	wrdreg $0xFFFFFFFF  }
0xcb: {  	_ =	task.clear_ibuf [dreg:s10], $0x2FFFF;
	_ =	strace $0x9FFFFFFF  }
0xcc: {  	(tm) =	ssettm $0x7FFFFFFF  }
0xcd: {  	_ =	shalt  }
tec
execute0_lowered:
.L_overlay_start_1:
0x0: {  	(tag) =	ssettag $0x1  }
0x1: {  	s2 =	rddreg [dreg:$0x0]  }
0x2: {  	s1 =	rddreg [dreg:$0x1]  }
0x3: {  	s0 =	srdreg.scid;
	s29 =	rddreg [dreg:$0x2]  }
0x4: {  	s3 =	stileid.u32;
	s5 =	rddreg [dreg:$0x3];
	s6 =	simm.s32 $0x0  }
0x5: {  	s30 =	simm.s32 $0x9;
	s28 =	simm.s32 $0x14100;
	s20 =	simm.s32 $0x4  }
0x6: {  	s10 =	simm.s32 $0x6;
	s0 =	sand.u32 $0x1, s0;
	s3 =	sshll.u32 s3, $0x7  }
0x7: {  	[smem:$0x7FF] =	sst s6;
	s12 =	sadd.s32 $0x100, s1;
	s13 =	sadd.s32 $0x200, s1  }
0x8: {  	s14 =	sadd.s32 $0x300, s1;
	s15 =	sadd.s32 $0x400, s1;
	s16 =	sadd.s32 $0x500, s1  }
0x9: {  	s17 =	sadd.s32 $0x600, s1;
	s18 =	sadd.s32 $0x700, s1;
	s25 =	sadd.s32 $0x80000, s5  }
0xa: {  	s26 =	sadd.s32 $0x100000, s5;
	_ =	strace $0x80000047;
	[dreg:$0xa] =	wrdreg s25  }
0xb: {  	s7 =	sshll.u32 s0, $0x6;
	s0 =	ssub.s32 $0x2, s0;
	[dreg:$0xb] =	wrdreg s26  }
0xc: {  	s26 =	simm.s32 $0x3;
	s4 =	sor.u32 s7, s3;
	s9 =	sshrl.u32 s0, $0x1  }
0xd: {  	s3 =	sshll.u32 s4, $0x2;
	s0 =	ssub.s32 s0, s9;
	s23 =	sshll.u32 s4, $0x8  }
0xe: {  	s31 =	sor.u32 $0x10, s4;
	s8 =	sand.u32 $0x1E00, s3;
	s3 =	sor.u32 s7, s3  }
0xf: {  	s24 =	sadd.s32 s29, s23;
	[dreg:$0xc] =	wrdreg s31;
	s0 =	smax.u32 s0, $0x1  }
0x10: {  	s8 =	sor.u32 s7, s8;
	s3 =	sshrl.u32 s3, $0x3;
	[dreg:$0x9] =	wrdreg s24  }
0x11: {  	[dreg:$0xd] =	wrdreg s0;
	s8 =	sshrl.u32 s8, $0x3;
	s22 =	sor.u32 $0x20, s3  }
0x12: {  	s3 =	sor.u32 $0x30, s3;
	s8 =	sadd.s32 s2, s8;
	s7 =	sadd.s32 s2, s22  }
0x13: {  	s2 =	sadd.s32 s2, s3;
	s3 =	simm.s32 $0x7;
	[dreg:$0x5] =	wrdreg s8  }
0x14: {  	v0 =	vlaneseq.u32;
	s22 =	simm.s32 $0x5;
	s21 =	sadd.s32 $0x10, s8;
	[dreg:$0x7] =	wrdreg s7  }
0x15: {  	v1 =	vshrl.u32 v0, $0x3;
	[dreg:$0x8] =	wrdreg s2;
	s7 =	simm.s32 $0x8;
	s8 =	simm.s32 $0xA  }
0x16: {  	vm0 =	vmmov $0xffff;
	v0 =	vand.u32 $0x7, v0;
	v1 =	vmul.u32 $0x8, v1;
	s2 =	simm.s32 $0x0;
	[dreg:$0x6] =	wrdreg s21;
	s21 =	sadd.s32 $0x180000, s5  }
.LBB2_1:
0x17: {  	[dreg:$0xe] =	wrdreg s2  }
0x18: {  	s0 =	rddreg [dreg:$0x5]  }
0x19: {  	[tilespmem:s6], [sflag:$0x7] =	stream.linear.gather [hbm4b:s0+s6], $0x40, $0x38;
	[tilespmem:$0x18100] =	vst v63  }
0x1a: {  	s23 =	rddreg [dreg:$0x6];
	s24 =	simm.s32 $0x40  }
0x1b: {  	[tilespmem:s24], [sflag:$0x8] =	stream.linear.gather [hbm4b:s23+s6], $0x40, $0x38;
	[tilespmem:$0x18100] =	vst v63  }
0x1c: {  	s25 =	rddreg [dreg:$0x7];
	s31 =	simm.s32 $0x80  }
0x1d: {  	[tilespmem:s31], [sflag:$0x9] =	stream.linear.gather [hbm4b:s25+s6], $0x40, $0x38;
	[tilespmem:$0x18100] =	vst v63  }
0x1e: {  	s2 =	rddreg [dreg:$0x8];
	s9 =	simm.s32 $0xC0  }
0x1f: {  	[tilespmem:s9], [sflag:$0xA] =	stream.linear.gather [hbm4b:s2+s6], $0x40, $0x38;
	[tilespmem:$0x18100] =	vst v63  }
0x20: {  	s11 =	rddreg [dreg:$0x9];
	s19 =	simm.s32 $0x100  }
0x21: {  	[tilespmem:s19], [sflag:$0x1] =	stream.linear.gather [hbm4b:s11+s6], $0x4000, $0x38;
	[tilespmem:$0x18100] =	vst v63  }
0x22: {  	_ =	swait.ge [sflag:s3], $0x40  }
0x23: {  	[sflag:s3] =	ssyncset.done $0x0  }
0x24: {  	[sflag:s3] =	ssyncadd.s32 $0xFFFFFFC0  }
0x25: {  	v2 =	vld.msk [tilespmem:$0x0], $0xff;
	_ =	sdelay $0x4  }
0x26: {  	v3 =	vshll.u32 v2, $0x4  }
0x27: {  	v2 =	vand.u32 $0x7, v2;
	v3 =	vand.u32 $0xFFFFFF80, v3  }
0x28: {  	v2 =	vor.u32 v2, v3  }
0x29: {  	v2 =	vperm.xlane v2, v0;
	_ =	sdelay $0x1  }
0x2a: {  	v2 =	vadd.s32 v1, v2;
	_ =	sdelay $0x3  }
0x2b: {  	s23 =	simm.s32 $0x8100  }
0x2c: {  	[tilespmem:s23], [sflag:$0x3] =	stream.indirect_vreg.gather [hbm4b:s1+s6], $0x80, v2, vm0, $0xb8;
	[tilespmem:$0x18100] =	vst v63  }
0x2d: {  	s24 =	simm.s32 $0x8900  }
0x2e: {  	[tilespmem:s24], [sflag:$0x3] =	stream.indirect_vreg.gather [hbm4b:s12+s6], $0x80, v2, vm0, $0xb8;
	[tilespmem:$0x18100] =	vst v63  }
0x2f: {  	s25 =	simm.s32 $0x9100  }
0x30: {  	[tilespmem:s25], [sflag:$0x3] =	stream.indirect_vreg.gather [hbm4b:s13+s6], $0x80, v2, vm0, $0xb8;
	[tilespmem:$0x18100] =	vst v63  }
0x31: {  	s31 =	simm.s32 $0x9900  }
0x32: {  	[tilespmem:s31], [sflag:$0x3] =	stream.indirect_vreg.gather [hbm4b:s14+s6], $0x80, v2, vm0, $0xb8;
	[tilespmem:$0x18100] =	vst v63  }
0x33: {  	s2 =	simm.s32 $0xA100  }
0x34: {  	[tilespmem:s2], [sflag:$0x3] =	stream.indirect_vreg.gather [hbm4b:s15+s6], $0x80, v2, vm0, $0xb8;
	[tilespmem:$0x18100] =	vst v63  }
0x35: {  	s3 =	simm.s32 $0xA900  }
0x36: {  	[tilespmem:s3], [sflag:$0x3] =	stream.indirect_vreg.gather [hbm4b:s16+s6], $0x80, v2, vm0, $0xb8;
	[tilespmem:$0x18100] =	vst v63  }
0x37: {  	s9 =	simm.s32 $0xB100  }
0x38: {  	[tilespmem:s9], [sflag:$0x3] =	stream.indirect_vreg.gather [hbm4b:s17+s6], $0x80, v2, vm0, $0xb8;
	[tilespmem:$0x18100] =	vst v63  }
0x39: {  	s11 =	simm.s32 $0xB900  }
0x3a: {  	[tilespmem:s11], [sflag:$0x3] =	stream.indirect_vreg.gather [hbm4b:s18+s6], $0x80, v2, vm0, $0xb8;
	[tilespmem:$0x18100] =	vst v63  }
0x3b: {  	_ =	swait.ge [sflag:s7], $0x40  }
0x3c: {  	[sflag:s7] =	ssyncset.done $0x0  }
0x3d: {  	[sflag:s7] =	ssyncadd.s32 $0xFFFFFFC0  }
0x3e: {  	v2 =	vld.msk [tilespmem:$0x40], $0xff;
	_ =	sdelay $0x4  }
0x3f: {  	v3 =	vshll.u32 v2, $0x4  }
0x40: {  	v2 =	vand.u32 $0x7, v2;
	v3 =	vand.u32 $0xFFFFFF80, v3  }
0x41: {  	v2 =	vor.u32 v2, v3  }
0x42: {  	v2 =	vperm.xlane v2, v0;
	_ =	sdelay $0x1  }
0x43: {  	v2 =	vadd.s32 v1, v2;
	_ =	sdelay $0x3  }
0x44: {  	s19 =	simm.s32 $0xC100  }
0x45: {  	[tilespmem:s19], [sflag:$0x4] =	stream.indirect_vreg.gather [hbm4b:s1+s6], $0x80, v2, vm0, $0xb8;
	[tilespmem:$0x18100] =	vst v63  }
0x46: {  	s23 =	simm.s32 $0xC900  }
0x47: {  	[tilespmem:s23], [sflag:$0x4] =	stream.indirect_vreg.gather [hbm4b:s12+s6], $0x80, v2, vm0, $0xb8;
	[tilespmem:$0x18100] =	vst v63  }
0x48: {  	s24 =	simm.s32 $0xD100  }
0x49: {  	[tilespmem:s24], [sflag:$0x4] =	stream.indirect_vreg.gather [hbm4b:s13+s6], $0x80, v2, vm0, $0xb8;
	[tilespmem:$0x18100] =	vst v63  }
0x4a: {  	s25 =	simm.s32 $0xD900  }
0x4b: {  	[tilespmem:s25], [sflag:$0x4] =	stream.indirect_vreg.gather [hbm4b:s14+s6], $0x80, v2, vm0, $0xb8;
	[tilespmem:$0x18100] =	vst v63  }
0x4c: {  	s31 =	simm.s32 $0xE100  }
0x4d: {  	[tilespmem:s31], [sflag:$0x4] =	stream.indirect_vreg.gather [hbm4b:s15+s6], $0x80, v2, vm0, $0xb8;
	[tilespmem:$0x18100] =	vst v63  }
0x4e: {  	s2 =	simm.s32 $0xE900  }
0x4f: {  	[tilespmem:s2], [sflag:$0x4] =	stream.indirect_vreg.gather [hbm4b:s16+s6], $0x80, v2, vm0, $0xb8;
	[tilespmem:$0x18100] =	vst v63  }
0x50: {  	s3 =	simm.s32 $0xF100  }
0x51: {  	[tilespmem:s3], [sflag:$0x4] =	stream.indirect_vreg.gather [hbm4b:s17+s6], $0x80, v2, vm0, $0xb8;
	[tilespmem:$0x18100] =	vst v63  }
0x52: {  	s7 =	simm.s32 $0xF900  }
0x53: {  	[tilespmem:s7], [sflag:$0x4] =	stream.indirect_vreg.gather [hbm4b:s18+s6], $0x80, v2, vm0, $0xb8;
	[tilespmem:$0x18100] =	vst v63  }
0x54: {  	_ =	swait.ge [sflag:s30], $0x40  }
0x55: {  	[sflag:s30] =	ssyncset.done $0x0  }
0x56: {  	[sflag:s30] =	ssyncadd.s32 $0xFFFFFFC0  }
0x57: {  	v2 =	vld.msk [tilespmem:$0x80], $0xff;
	_ =	sdelay $0x4  }
0x58: {  	v3 =	vshll.u32 v2, $0x4  }
0x59: {  	v2 =	vand.u32 $0x7, v2;
	v3 =	vand.u32 $0xFFFFFF80, v3  }
0x5a: {  	v2 =	vor.u32 v2, v3  }
0x5b: {  	v2 =	vperm.xlane v2, v0;
	_ =	sdelay $0x1  }
0x5c: {  	v2 =	vadd.s32 v1, v2;
	_ =	sdelay $0x3  }
0x5d: {  	s9 =	simm.s32 $0x10100  }
0x5e: {  	[tilespmem:s9], [sflag:$0x5] =	stream.indirect_vreg.gather [hbm4b:s1+s6], $0x80, v2, vm0, $0xb8;
	[tilespmem:$0x18100] =	vst v63  }
0x5f: {  	s11 =	simm.s32 $0x10900  }
0x60: {  	[tilespmem:s11], [sflag:$0x5] =	stream.indirect_vreg.gather [hbm4b:s12+s6], $0x80, v2, vm0, $0xb8;
	[tilespmem:$0x18100] =	vst v63  }
0x61: {  	s19 =	simm.s32 $0x11100  }
0x62: {  	[tilespmem:s19], [sflag:$0x5] =	stream.indirect_vreg.gather [hbm4b:s13+s6], $0x80, v2, vm0, $0xb8;
	[tilespmem:$0x18100] =	vst v63  }
0x63: {  	s23 =	simm.s32 $0x11900  }
0x64: {  	[tilespmem:s23], [sflag:$0x5] =	stream.indirect_vreg.gather [hbm4b:s14+s6], $0x80, v2, vm0, $0xb8;
	[tilespmem:$0x18100] =	vst v63  }
0x65: {  	s24 =	simm.s32 $0x12100  }
0x66: {  	[tilespmem:s24], [sflag:$0x5] =	stream.indirect_vreg.gather [hbm4b:s15+s6], $0x80, v2, vm0, $0xb8;
	[tilespmem:$0x18100] =	vst v63  }
0x67: {  	s25 =	simm.s32 $0x12900  }
0x68: {  	[tilespmem:s25], [sflag:$0x5] =	stream.indirect_vreg.gather [hbm4b:s16+s6], $0x80, v2, vm0, $0xb8;
	[tilespmem:$0x18100] =	vst v63  }
0x69: {  	s30 =	simm.s32 $0x13100  }
0x6a: {  	[tilespmem:s30], [sflag:$0x5] =	stream.indirect_vreg.gather [hbm4b:s17+s6], $0x80, v2, vm0, $0xb8;
	[tilespmem:$0x18100] =	vst v63  }
0x6b: {  	s31 =	simm.s32 $0x13900  }
0x6c: {  	[tilespmem:s31], [sflag:$0x5] =	stream.indirect_vreg.gather [hbm4b:s18+s6], $0x80, v2, vm0, $0xb8;
	[tilespmem:$0x18100] =	vst v63  }
0x6d: {  	_ =	swait.ge [sflag:s8], $0x40  }
0x6e: {  	[sflag:s8] =	ssyncset.done $0x0  }
0x6f: {  	s23 =	simm.s32 $0x0;
	[sflag:s8] =	ssyncadd.s32 $0xFFFFFFC0  }
.LBB2_2:
0x70: {  	s31 =	sshllo.u32 s23, $0x1  }
0x71: {  	s3 =	sshll.u32 s31, $0x3  }
0x72: {  	s0 =	sor.u32 s4, s3  }
0x73: {  	s8 =	simm.s32 $0x0;
	s7 =	sshll.u32 s0, $0x8  }
0x74: {  	s9 =	simm.s32 $0x4100;
	s24 =	simm.s32 $0x1;
	s0 =	sadd.s32 s29, s7  }
0x75: {  	[tilespmem:s9], [sflag:$0x2] =	stream.linear.gather [hbm4b:s0+s8], $0x4000, $0x38;
	[tilespmem:$0x18100] =	vst v63  }
0x76: {  	_ =	swait.ge [sflag:s24], $0x4000  }
0x77: {  	[sflag:s24] =	ssyncset.done $0x0  }
0x78: {  	[sflag:s24] =	ssyncadd.s32 $0xFFFFC000  }
0x79: {  	s25 =	sand.u32 $0x40, s8;
	s30 =	sand.u32 $0x3C00, s8;
	_ =	swait.ge [sflag:s26], $0x4000  }
0x7a: {  	s8 =	sand.u32 $0x380, s8;
	s0 =	sor.u32 s25, s30;
	[sflag:s26] =	ssyncset.done $0x0  }
0x7b: {  	s19 =	sor.u32 s8, s0;
	[sflag:s26] =	ssyncadd.s32 $0xFFFFC000  }
0x7c: {  	v5 =	vld [tilespmem:s19+$0x130]  }
0x7d: {  	v4 =	vld [tilespmem:s19+$0x100]  }
0x7e: {  	v3 =	vld [tilespmem:s19+$0x110]  }
0x7f: {  	s2 =	smov.u32 s29;
	v2 =	vld [tilespmem:s19+$0x120]  }
0x80: {  	s11 =	simm.s32 $0x8;
	s9 =	simm.s32 $0x40;
	s25 =	simm.s32 $0x200  }
0x81: {  	s0 =	simm.s32 $0x4;
	s29 =	sand.u32 $0x40, s9;
	s8 =	sand.u32 $0x3C00, s25;
	[tilespmem:s19+$0x8130] =	vst.add.f32.msk $0xffff, v5  }
.LBB2_3:
0x82: {  	p0 =	sne.s32 s11, $0x3FC;
	s0 =	sand.u32 $0x380, s0;
	s8 =	sor.u32 s29, s8;
	[tilespmem:s19+$0x8100] =	vst.add.f32.msk $0xffff, v4  }
0x83: {  	s8 =	sor.u32 s0, s8;
	[tilespmem:s19+$0x8110] =	vst.add.f32.msk $0xffff, v3;
	s0 =	smov.u32 s11  }
0x84: {  	v5 =	vld [tilespmem:s8+$0x130];
	v6 =	vmov v2  }
.Ltmp0:
0x85: {  	v4 =	vld [tilespmem:s8+$0x100];
	(pc) =	sbr.rel @p0 .LBB2_3-.Ltmp0, $4  }
0x86: {  	v3 =	vld [tilespmem:s8+$0x110]  }
0x87: {  	v2 =	vld [tilespmem:s8+$0x120]  }
0x88: {  	s9 =	sadd.s32 $0x40, s9;
	s25 =	sadd.s32 $0x200, s25;
	[tilespmem:s19+$0x8120] =	vst.add.f32.msk $0xffff, v6;
	s19 =	smov.u32 s8  }
0x89: {  	s29 =	sand.u32 $0x40, s9;
	s11 =	sadd.s32 $0x4, s11;
	s8 =	sand.u32 $0x3C00, s25;
	[tilespmem:s19+$0x8130] =	vst.add.f32.msk $0xffff, v5  }
0x8a: {  	s0 =	sand.u32 $0x380, s0;
	s8 =	sor.u32 s29, s8;
	[tilespmem:s19+$0x8100] =	vst.add.f32.msk $0xffff, v4  }
0x8b: {  	s0 =	sor.u32 s0, s8;
	[tilespmem:s19+$0x8110] =	vst.add.f32.msk $0xffff, v3  }
0x8c: {  	v3 =	vld [tilespmem:s0+$0x130]  }
0x8d: {  	v4 =	vld [tilespmem:s0+$0x100]  }
0x8e: {  	v5 =	vld [tilespmem:s0+$0x110]  }
0x8f: {  	v6 =	vld [tilespmem:s0+$0x120]  }
0x90: {  	[tilespmem:s19+$0x8120] =	vst.add.f32.msk $0xffff, v2  }
0x91: {  	s19 =	sshll.u32 s23, $0x4;
	[tilespmem:s0+$0x8130] =	vst.add.f32.msk $0xffff, v3  }
0x92: {  	s11 =	sor.u32 s4, s19;
	[tilespmem:s0+$0x8100] =	vst.add.f32.msk $0xffff, v4  }
0x93: {  	p0 =	seq.s32 s23, $0x0;
	s30 =	sshll.u32 s11, $0x8;
	[tilespmem:s0+$0x8110] =	vst.add.f32.msk $0xffff, v5  }
0x94: {  	s25 =	simm.s32 $0x8100;
	s24 =	sadd.s32 s5, s30;
	[tilespmem:s0+$0x8120] =	vst.add.f32.msk $0xffff, v6;
	s0 =	simm.s32 @!p0 $0xA  }
0x95: {  	[hbm4b:s24+s6] =	stream.linear.scatter [tilespmem:s25], [sflag:$0x7], $0x4000, $0x38;
	[tilespmem:$0x18100] =	vst v63  }
0x96: {  	_ =	swait.ge @!p0 [sflag:s0], $0x4000  }
0x97: {  	[sflag:s0] =	ssyncset.done @!p0 $0x0  }
0x98: {  	[sflag:s0] =	ssyncadd.s32 @!p0 $0xFFFFC000  }
0x99: {  	v2 =	vld.msk [tilespmem:s19+$0xC0], $0xff;
	_ =	sdelay $0x4  }
0x9a: {  	v3 =	vshll.u32 v2, $0x4  }
0x9b: {  	v2 =	vand.u32 $0x7, v2;
	v3 =	vand.u32 $0xFFFFFF80, v3  }
0x9c: {  	v2 =	vor.u32 v2, v3  }
0x9d: {  	v2 =	vperm.xlane v2, v0;
	_ =	sdelay $0x1  }
0x9e: {  	v2 =	vadd.s32 v1, v2;
	_ =	sdelay $0x3  }
0x9f: {  	s0 =	simm.s32 $0x0  }
0xa0: {  	[tilespmem:s28], [sflag:$0x6] =	stream.indirect_vreg.gather [hbm4b:s1+s0], $0x80, v2, vm0, $0xb8;
	[tilespmem:$0x18100] =	vst v63  }
0xa1: {  	s9 =	simm.s32 $0x14900  }
0xa2: {  	[tilespmem:s9], [sflag:$0x6] =	stream.indirect_vreg.gather [hbm4b:s12+s0], $0x80, v2, vm0, $0xb8;
	[tilespmem:$0x18100] =	vst v63  }
0xa3: {  	s11 =	simm.s32 $0x15100  }
0xa4: {  	[tilespmem:s11], [sflag:$0x6] =	stream.indirect_vreg.gather [hbm4b:s13+s0], $0x80, v2, vm0, $0xb8;
	[tilespmem:$0x18100] =	vst v63  }
0xa5: {  	s24 =	simm.s32 $0x15900  }
0xa6: {  	[tilespmem:s24], [sflag:$0x6] =	stream.indirect_vreg.gather [hbm4b:s14+s0], $0x80, v2, vm0, $0xb8;
	[tilespmem:$0x18100] =	vst v63  }
0xa7: {  	s25 =	simm.s32 $0x16100  }
0xa8: {  	[tilespmem:s25], [sflag:$0x6] =	stream.indirect_vreg.gather [hbm4b:s15+s0], $0x80, v2, vm0, $0xb8;
	[tilespmem:$0x18100] =	vst v63  }
0xa9: {  	s9 =	simm.s32 $0x16900  }
0xaa: {  	[tilespmem:s9], [sflag:$0x6] =	stream.indirect_vreg.gather [hbm4b:s16+s0], $0x80, v2, vm0, $0xb8;
	[tilespmem:$0x18100] =	vst v63  }
0xab: {  	s11 =	simm.s32 $0x17100  }
0xac: {  	[tilespmem:s11], [sflag:$0x6] =	stream.indirect_vreg.gather [hbm4b:s17+s0], $0x80, v2, vm0, $0xb8;
	[tilespmem:$0x18100] =	vst v63  }
0xad: {  	s24 =	simm.s32 $0x17900  }
0xae: {  	[tilespmem:s24], [sflag:$0x6] =	stream.indirect_vreg.gather [hbm4b:s18+s0], $0x80, v2, vm0, $0xb8;
	[tilespmem:$0x18100] =	vst v63  }
0xaf: {  	s25 =	sand.u32 $0x40, s0;
	s9 =	sand.u32 $0x3C00, s0;
	_ =	swait.ge [sflag:s20], $0x4000  }
0xb0: {  	s8 =	sor.u32 s25, s9;
	s0 =	sand.u32 $0x380, s0;
	[sflag:s20] =	ssyncset.done $0x0  }
0xb1: {  	s9 =	sor.u32 s0, s8;
	[sflag:s20] =	ssyncadd.s32 $0xFFFFC000  }
0xb2: {  	v5 =	vld [tilespmem:s9+$0x130]  }
0xb3: {  	v4 =	vld [tilespmem:s9+$0x100]  }
0xb4: {  	v3 =	vld [tilespmem:s9+$0x110]  }
0xb5: {  	v2 =	vld [tilespmem:s9+$0x120]  }
0xb6: {  	s29 =	simm.s32 $0x8;
	s25 =	simm.s32 $0x40;
	s0 =	simm.s32 $0x200  }
0xb7: {  	s11 =	simm.s32 $0x4;
	s8 =	sand.u32 $0x40, s25;
	s24 =	sand.u32 $0x3C00, s0;
	[tilespmem:s9+$0xC130] =	vst.add.f32.msk $0xffff, v5  }
.LBB2_5:
0xb8: {  	p0 =	sne.s32 s29, $0x3FC;
	s11 =	sand.u32 $0x380, s11;
	s8 =	sor.u32 s8, s24;
	[tilespmem:s9+$0xC100] =	vst.add.f32.msk $0xffff, v4  }
0xb9: {  	s8 =	sor.u32 s11, s8;
	[tilespmem:s9+$0xC110] =	vst.add.f32.msk $0xffff, v3;
	s11 =	smov.u32 s29  }
0xba: {  	v5 =	vld [tilespmem:s8+$0x130];
	v6 =	vmov v2  }
.Ltmp1:
0xbb: {  	v4 =	vld [tilespmem:s8+$0x100];
	(pc) =	sbr.rel @p0 .LBB2_5-.Ltmp1, $4  }
0xbc: {  	v3 =	vld [tilespmem:s8+$0x110]  }
0xbd: {  	v2 =	vld [tilespmem:s8+$0x120]  }
0xbe: {  	s25 =	sadd.s32 $0x40, s25;
	s0 =	sadd.s32 $0x200, s0;
	[tilespmem:s9+$0xC120] =	vst.add.f32.msk $0xffff, v6;
	s9 =	smov.u32 s8  }
0xbf: {  	s24 =	sand.u32 $0x3C00, s0;
	s29 =	sadd.s32 $0x4, s29;
	s8 =	sand.u32 $0x40, s25;
	[tilespmem:s9+$0xC130] =	vst.add.f32.msk $0xffff, v5  }
0xc0: {  	s0 =	sand.u32 $0x380, s11;
	s8 =	sor.u32 s8, s24;
	[tilespmem:s9+$0xC100] =	vst.add.f32.msk $0xffff, v4  }
0xc1: {  	s0 =	sor.u32 s0, s8;
	[tilespmem:s9+$0xC110] =	vst.add.f32.msk $0xffff, v3  }
0xc2: {  	v3 =	vld [tilespmem:s0+$0x130]  }
0xc3: {  	v4 =	vld [tilespmem:s0+$0x100]  }
0xc4: {  	v5 =	vld [tilespmem:s0+$0x110]  }
0xc5: {  	v6 =	vld [tilespmem:s0+$0x120]  }
0xc6: {  	[tilespmem:s9+$0xC120] =	vst.add.f32.msk $0xffff, v2  }
0xc7: {  	[tilespmem:s0+$0xC130] =	vst.add.f32.msk $0xffff, v3  }
0xc8: {  	[tilespmem:s0+$0xC100] =	vst.add.f32.msk $0xffff, v4  }
0xc9: {  	s24 =	rddreg [dreg:$0xa];
	s25 =	simm.s32 $0xC100;
	[tilespmem:s0+$0xC110] =	vst.add.f32.msk $0xffff, v5  }
0xca: {  	s11 =	simm.s32 $0x7;
	s8 =	simm.s32 $0x0;
	[tilespmem:s0+$0xC120] =	vst.add.f32.msk $0xffff, v6;
	s0 =	sadd.s32 s30, s24  }
0xcb: {  	[hbm4b:s0+s8] =	stream.linear.scatter [tilespmem:s25], [sflag:$0x8], $0x4000, $0x38;
	[tilespmem:$0x18100] =	vst v63  }
0xcc: {  	_ =	swait.ge [sflag:s11], $0x4000  }
0xcd: {  	[sflag:s11] =	ssyncset.done $0x0  }
0xce: {  	[sflag:s11] =	ssyncadd.s32 $0xFFFFC000  }
0xcf: {  	v2 =	vld.msk [tilespmem:s3+$0x0], $0xff;
	_ =	sdelay $0x4  }
0xd0: {  	v3 =	vshll.u32 v2, $0x4  }
0xd1: {  	v2 =	vand.u32 $0x7, v2;
	v3 =	vand.u32 $0xFFFFFF80, v3  }
0xd2: {  	v2 =	vor.u32 v2, v3  }
0xd3: {  	v2 =	vperm.xlane v2, v0;
	_ =	sdelay $0x1  }
0xd4: {  	v2 =	vadd.s32 v1, v2;
	_ =	sdelay $0x3  }
0xd5: {  	s24 =	simm.s32 $0x8100  }
0xd6: {  	[tilespmem:s24], [sflag:$0x3] =	stream.indirect_vreg.gather [hbm4b:s1+s8], $0x80, v2, vm0, $0xb8;
	[tilespmem:$0x18100] =	vst v63  }
0xd7: {  	s25 =	simm.s32 $0x8900  }
0xd8: {  	[tilespmem:s25], [sflag:$0x3] =	stream.indirect_vreg.gather [hbm4b:s12+s8], $0x80, v2, vm0, $0xb8;
	[tilespmem:$0x18100] =	vst v63  }
0xd9: {  	s9 =	simm.s32 $0x9100  }
0xda: {  	[tilespmem:s9], [sflag:$0x3] =	stream.indirect_vreg.gather [hbm4b:s13+s8], $0x80, v2, vm0, $0xb8;
	[tilespmem:$0x18100] =	vst v63  }
0xdb: {  	s11 =	simm.s32 $0x9900  }
0xdc: {  	[tilespmem:s11], [sflag:$0x3] =	stream.indirect_vreg.gather [hbm4b:s14+s8], $0x80, v2, vm0, $0xb8;
	[tilespmem:$0x18100] =	vst v63  }
0xdd: {  	s24 =	simm.s32 $0xA100  }
0xde: {  	[tilespmem:s24], [sflag:$0x3] =	stream.indirect_vreg.gather [hbm4b:s15+s8], $0x80, v2, vm0, $0xb8;
	[tilespmem:$0x18100] =	vst v63  }
0xdf: {  	s25 =	simm.s32 $0xA900  }
0xe0: {  	[tilespmem:s25], [sflag:$0x3] =	stream.indirect_vreg.gather [hbm4b:s16+s8], $0x80, v2, vm0, $0xb8;
	[tilespmem:$0x18100] =	vst v63  }
0xe1: {  	s9 =	simm.s32 $0xB100  }
0xe2: {  	[tilespmem:s9], [sflag:$0x3] =	stream.indirect_vreg.gather [hbm4b:s17+s8], $0x80, v2, vm0, $0xb8;
	[tilespmem:$0x18100] =	vst v63  }
0xe3: {  	s11 =	simm.s32 $0xB900  }
0xe4: {  	[tilespmem:s11], [sflag:$0x3] =	stream.indirect_vreg.gather [hbm4b:s18+s8], $0x80, v2, vm0, $0xb8;
	[tilespmem:$0x18100] =	vst v63  }
0xe5: {  	s24 =	sand.u32 $0x40, s8;
	s25 =	sand.u32 $0x3C00, s8;
	_ =	swait.ge [sflag:s22], $0x4000  }
0xe6: {  	s0 =	sor.u32 s24, s25;
	s8 =	sand.u32 $0x380, s8;
	[sflag:s22] =	ssyncset.done $0x0  }
0xe7: {  	s9 =	sor.u32 s8, s0;
	[sflag:s22] =	ssyncadd.s32 $0xFFFFC000  }
0xe8: {  	v5 =	vld [tilespmem:s9+$0x130]  }
0xe9: {  	v4 =	vld [tilespmem:s9+$0x100]  }
0xea: {  	v3 =	vld [tilespmem:s9+$0x110]  }
0xeb: {  	v2 =	vld [tilespmem:s9+$0x120]  }
0xec: {  	s29 =	simm.s32 $0x8;
	s25 =	simm.s32 $0x40;
	s0 =	simm.s32 $0x200  }
0xed: {  	s11 =	simm.s32 $0x4;
	s8 =	sand.u32 $0x40, s25;
	s24 =	sand.u32 $0x3C00, s0;
	[tilespmem:s9+$0x10130] =	vst.add.f32.msk $0xffff, v5  }
.LBB2_7:
0xee: {  	p0 =	sne.s32 s29, $0x3FC;
	s11 =	sand.u32 $0x380, s11;
	s8 =	sor.u32 s8, s24;
	[tilespmem:s9+$0x10100] =	vst.add.f32.msk $0xffff, v4  }
0xef: {  	s8 =	sor.u32 s11, s8;
	[tilespmem:s9+$0x10110] =	vst.add.f32.msk $0xffff, v3;
	s11 =	smov.u32 s29  }
0xf0: {  	v5 =	vld [tilespmem:s8+$0x130];
	v6 =	vmov v2  }
.Ltmp2:
0xf1: {  	v4 =	vld [tilespmem:s8+$0x100];
	(pc) =	sbr.rel @p0 .LBB2_7-.Ltmp2, $4  }
0xf2: {  	v3 =	vld [tilespmem:s8+$0x110]  }
0xf3: {  	v2 =	vld [tilespmem:s8+$0x120]  }
0xf4: {  	s25 =	sadd.s32 $0x40, s25;
	s0 =	sadd.s32 $0x200, s0;
	[tilespmem:s9+$0x10120] =	vst.add.f32.msk $0xffff, v6;
	s9 =	smov.u32 s8  }
0xf5: {  	s24 =	sand.u32 $0x3C00, s0;
	s29 =	sadd.s32 $0x4, s29;
	s8 =	sand.u32 $0x40, s25;
	[tilespmem:s9+$0x10130] =	vst.add.f32.msk $0xffff, v5  }
0xf6: {  	s0 =	sand.u32 $0x380, s11;
	s8 =	sor.u32 s8, s24;
	[tilespmem:s9+$0x10100] =	vst.add.f32.msk $0xffff, v4  }
0xf7: {  	s0 =	sor.u32 s0, s8;
	[tilespmem:s9+$0x10110] =	vst.add.f32.msk $0xffff, v3  }
0xf8: {  	v3 =	vld [tilespmem:s0+$0x130]  }
0xf9: {  	v4 =	vld [tilespmem:s0+$0x100]  }
0xfa: {  	v5 =	vld [tilespmem:s0+$0x110]  }
0xfb: {  	v6 =	vld [tilespmem:s0+$0x120]  }
0xfc: {  	[tilespmem:s9+$0x10120] =	vst.add.f32.msk $0xffff, v2  }
0xfd: {  	[tilespmem:s0+$0x10130] =	vst.add.f32.msk $0xffff, v3  }
0xfe: {  	[tilespmem:s0+$0x10100] =	vst.add.f32.msk $0xffff, v4  }
0xff: {  	s24 =	rddreg [dreg:$0xb];
	s25 =	simm.s32 $0x10100;
	[tilespmem:s0+$0x10110] =	vst.add.f32.msk $0xffff, v5  }
0x100: {  	s11 =	simm.s32 $0x8;
	s8 =	simm.s32 $0x0;
	[tilespmem:s0+$0x10120] =	vst.add.f32.msk $0xffff, v6;
	s0 =	sadd.s32 s30, s24  }
0x101: {  	[hbm4b:s0+s8] =	stream.linear.scatter [tilespmem:s25], [sflag:$0x9], $0x4000, $0x38;
	[tilespmem:$0x18100] =	vst v63  }
0x102: {  	_ =	swait.ge [sflag:s11], $0x4000  }
0x103: {  	[sflag:s11] =	ssyncset.done $0x0  }
0x104: {  	[sflag:s11] =	ssyncadd.s32 $0xFFFFC000  }
0x105: {  	v2 =	vld.msk [tilespmem:s3+$0x40], $0xff;
	_ =	sdelay $0x4  }
0x106: {  	v3 =	vshll.u32 v2, $0x4  }
0x107: {  	v2 =	vand.u32 $0x7, v2;
	v3 =	vand.u32 $0xFFFFFF80, v3  }
0x108: {  	v2 =	vor.u32 v2, v3  }
0x109: {  	v2 =	vperm.xlane v2, v0;
	_ =	sdelay $0x1  }
0x10a: {  	v2 =	vadd.s32 v1, v2;
	_ =	sdelay $0x3  }
0x10b: {  	s24 =	simm.s32 $0xC100  }
0x10c: {  	[tilespmem:s24], [sflag:$0x4] =	stream.indirect_vreg.gather [hbm4b:s1+s8], $0x80, v2, vm0, $0xb8;
	[tilespmem:$0x18100] =	vst v63  }
0x10d: {  	s25 =	simm.s32 $0xC900  }
0x10e: {  	[tilespmem:s25], [sflag:$0x4] =	stream.indirect_vreg.gather [hbm4b:s12+s8], $0x80, v2, vm0, $0xb8;
	[tilespmem:$0x18100] =	vst v63  }
0x10f: {  	s9 =	simm.s32 $0xD100  }
0x110: {  	[tilespmem:s9], [sflag:$0x4] =	stream.indirect_vreg.gather [hbm4b:s13+s8], $0x80, v2, vm0, $0xb8;
	[tilespmem:$0x18100] =	vst v63  }
0x111: {  	s11 =	simm.s32 $0xD900  }
0x112: {  	[tilespmem:s11], [sflag:$0x4] =	stream.indirect_vreg.gather [hbm4b:s14+s8], $0x80, v2, vm0, $0xb8;
	[tilespmem:$0x18100] =	vst v63  }
0x113: {  	s24 =	simm.s32 $0xE100  }
0x114: {  	[tilespmem:s24], [sflag:$0x4] =	stream.indirect_vreg.gather [hbm4b:s15+s8], $0x80, v2, vm0, $0xb8;
	[tilespmem:$0x18100] =	vst v63  }
0x115: {  	s25 =	simm.s32 $0xE900  }
0x116: {  	[tilespmem:s25], [sflag:$0x4] =	stream.indirect_vreg.gather [hbm4b:s16+s8], $0x80, v2, vm0, $0xb8;
	[tilespmem:$0x18100] =	vst v63  }
0x117: {  	s9 =	simm.s32 $0xF100  }
0x118: {  	[tilespmem:s9], [sflag:$0x4] =	stream.indirect_vreg.gather [hbm4b:s17+s8], $0x80, v2, vm0, $0xb8;
	[tilespmem:$0x18100] =	vst v63  }
0x119: {  	s11 =	simm.s32 $0xF900  }
0x11a: {  	[tilespmem:s11], [sflag:$0x4] =	stream.indirect_vreg.gather [hbm4b:s18+s8], $0x80, v2, vm0, $0xb8;
	[tilespmem:$0x18100] =	vst v63  }
0x11b: {  	s24 =	sand.u32 $0x40, s8;
	s25 =	sand.u32 $0x3C00, s8;
	_ =	swait.ge [sflag:s10], $0x4000  }
0x11c: {  	s0 =	sor.u32 s24, s25;
	s8 =	sand.u32 $0x380, s8;
	[sflag:s10] =	ssyncset.done $0x0  }
0x11d: {  	s9 =	sor.u32 s8, s0;
	[sflag:s10] =	ssyncadd.s32 $0xFFFFC000  }
0x11e: {  	v5 =	vld [tilespmem:s9+$0x130]  }
0x11f: {  	v4 =	vld [tilespmem:s9+$0x100]  }
0x120: {  	v3 =	vld [tilespmem:s9+$0x110]  }
0x121: {  	v2 =	vld [tilespmem:s9+$0x120]  }
0x122: {  	s29 =	simm.s32 $0x8;
	s25 =	simm.s32 $0x40;
	s0 =	simm.s32 $0x200  }
0x123: {  	s11 =	simm.s32 $0x4;
	s8 =	sand.u32 $0x40, s25;
	s24 =	sand.u32 $0x3C00, s0;
	[tilespmem:s9+$0x14130] =	vst.add.f32.msk $0xffff, v5  }
.LBB2_9:
0x124: {  	p0 =	sne.s32 s29, $0x3FC;
	s11 =	sand.u32 $0x380, s11;
	s8 =	sor.u32 s8, s24;
	[tilespmem:s9+$0x14100] =	vst.add.f32.msk $0xffff, v4  }
0x125: {  	s8 =	sor.u32 s11, s8;
	[tilespmem:s9+$0x14110] =	vst.add.f32.msk $0xffff, v3;
	s11 =	smov.u32 s29  }
0x126: {  	v5 =	vld [tilespmem:s8+$0x130];
	v6 =	vmov v2  }
.Ltmp3:
0x127: {  	v4 =	vld [tilespmem:s8+$0x100];
	(pc) =	sbr.rel @p0 .LBB2_9-.Ltmp3, $4  }
0x128: {  	v3 =	vld [tilespmem:s8+$0x110]  }
0x129: {  	v2 =	vld [tilespmem:s8+$0x120]  }
0x12a: {  	s25 =	sadd.s32 $0x40, s25;
	s0 =	sadd.s32 $0x200, s0;
	[tilespmem:s9+$0x14120] =	vst.add.f32.msk $0xffff, v6;
	s9 =	smov.u32 s8  }
0x12b: {  	s24 =	sand.u32 $0x3C00, s0;
	s29 =	sadd.s32 $0x4, s29;
	s8 =	sand.u32 $0x40, s25;
	[tilespmem:s9+$0x14130] =	vst.add.f32.msk $0xffff, v5  }
0x12c: {  	s0 =	sand.u32 $0x380, s11;
	s8 =	sor.u32 s8, s24;
	[tilespmem:s9+$0x14100] =	vst.add.f32.msk $0xffff, v4  }
0x12d: {  	s0 =	sor.u32 s0, s8;
	[tilespmem:s9+$0x14110] =	vst.add.f32.msk $0xffff, v3  }
0x12e: {  	v3 =	vld [tilespmem:s0+$0x130]  }
0x12f: {  	v4 =	vld [tilespmem:s0+$0x100]  }
0x130: {  	v5 =	vld [tilespmem:s0+$0x110]  }
0x131: {  	v6 =	vld [tilespmem:s0+$0x120]  }
0x132: {  	[tilespmem:s9+$0x14120] =	vst.add.f32.msk $0xffff, v2  }
0x133: {  	[tilespmem:s0+$0x14130] =	vst.add.f32.msk $0xffff, v3  }
0x134: {  	[tilespmem:s0+$0x14100] =	vst.add.f32.msk $0xffff, v4  }
0x135: {  	[tilespmem:s0+$0x14110] =	vst.add.f32.msk $0xffff, v5  }
0x136: {  	s24 =	sadd.s32 s30, s21;
	s30 =	simm.s32 $0x9;
	[tilespmem:s0+$0x14120] =	vst.add.f32.msk $0xffff, v6  }
0x137: {  	[hbm4b:s24+s6] =	stream.linear.scatter [tilespmem:s28], [sflag:$0xA], $0x4000, $0x38;
	[tilespmem:$0x18100] =	vst v63  }
0x138: {  	_ =	swait.ge [sflag:s30], $0x4000  }
0x139: {  	[sflag:s30] =	ssyncset.done $0x0  }
0x13a: {  	[sflag:s30] =	ssyncadd.s32 $0xFFFFC000  }
0x13b: {  	v2 =	vld.msk [tilespmem:s3+$0x80], $0xff;
	_ =	sdelay $0x4  }
0x13c: {  	v3 =	vshll.u32 v2, $0x4  }
0x13d: {  	v2 =	vand.u32 $0x7, v2;
	v3 =	vand.u32 $0xFFFFFF80, v3  }
0x13e: {  	v2 =	vor.u32 v2, v3  }
0x13f: {  	v2 =	vperm.xlane v2, v0;
	_ =	sdelay $0x1  }
0x140: {  	v2 =	vadd.s32 v1, v2;
	_ =	sdelay $0x3  }
0x141: {  	s25 =	simm.s32 $0x10100  }
0x142: {  	[tilespmem:s25], [sflag:$0x5] =	stream.indirect_vreg.gather [hbm4b:s1+s6], $0x80, v2, vm0, $0xb8;
	[tilespmem:$0x18100] =	vst v63  }
0x143: {  	s8 =	simm.s32 $0x10900  }
0x144: {  	[tilespmem:s8], [sflag:$0x5] =	stream.indirect_vreg.gather [hbm4b:s12+s6], $0x80, v2, vm0, $0xb8;
	[tilespmem:$0x18100] =	vst v63  }
0x145: {  	s9 =	simm.s32 $0x11100  }
0x146: {  	[tilespmem:s9], [sflag:$0x5] =	stream.indirect_vreg.gather [hbm4b:s13+s6], $0x80, v2, vm0, $0xb8;
	[tilespmem:$0x18100] =	vst v63  }
0x147: {  	s11 =	simm.s32 $0x11900  }
0x148: {  	[tilespmem:s11], [sflag:$0x5] =	stream.indirect_vreg.gather [hbm4b:s14+s6], $0x80, v2, vm0, $0xb8;
	[tilespmem:$0x18100] =	vst v63  }
0x149: {  	p0 =	seq.s32 s23, $0x3;
	s24 =	simm.s32 $0x12100;
	s0 =	rddreg [dreg:$0xc]  }
0x14a: {  	[tilespmem:s24], [sflag:$0x5] =	stream.indirect_vreg.gather [hbm4b:s15+s6], $0x80, v2, vm0, $0xb8;
	[tilespmem:$0x18100] =	vst v63  }
0x14b: {  	s0 =	sadd.s32 @!p0 s19, s0;
	s25 =	simm.s32 $0x12900  }
0x14c: {  	[tilespmem:s25], [sflag:$0x5] =	stream.indirect_vreg.gather [hbm4b:s16+s6], $0x80, v2, vm0, $0xb8;
	[tilespmem:$0x18100] =	vst v63  }
0x14d: {  	s0 =	sshll.u32 @!p0 s0, $0x8;
	s8 =	simm.s32 $0x13100  }
0x14e: {  	[tilespmem:s8], [sflag:$0x5] =	stream.indirect_vreg.gather [hbm4b:s17+s6], $0x80, v2, vm0, $0xb8;
	[tilespmem:$0x18100] =	vst v63  }
0x14f: {  	s0 =	sadd.s32 @!p0 s2, s0;
	s9 =	simm.s32 $0x13900  }
0x150: {  	[tilespmem:s9], [sflag:$0x5] =	stream.indirect_vreg.gather [hbm4b:s18+s6], $0x80, v2, vm0, $0xb8;
	[tilespmem:$0x18100] =	vst v63  }
0x151: {  	s11 =	simm.s32 $0x2;
	s8 =	simm.s32 @!p0 $0x0;
	s9 =	simm.s32 @!p0 $0x100  }
0x152: {  	[tilespmem:s9], [sflag:$0x1] =	stream.linear.gather @!p0 [hbm4b:s0+s8], $0x4000, $0x38;
	[tilespmem:$0x18100] =	vst v63  }
0x153: {  	_ =	swait.ge [sflag:s11], $0x4000  }
0x154: {  	[sflag:s11] =	ssyncset.done $0x0  }
0x155: {  	s19 =	simm.s32 $0x0;
	[sflag:s11] =	ssyncadd.s32 $0xFFFFC000  }
0x156: {  	s24 =	sand.u32 $0x40, s19;
	s25 =	sand.u32 $0x3C00, s19;
	_ =	swait.ge [sflag:s26], $0x4000  }
0x157: {  	s0 =	sand.u32 $0x380, s19;
	s8 =	sor.u32 s24, s25;
	[sflag:s26] =	ssyncset.done $0x0  }
0x158: {  	s9 =	sor.u32 s0, s8;
	[sflag:s26] =	ssyncadd.s32 $0xFFFFC000  }
0x159: {  	v5 =	vld [tilespmem:s9+$0x4130]  }
0x15a: {  	v4 =	vld [tilespmem:s9+$0x4100]  }
0x15b: {  	v3 =	vld [tilespmem:s9+$0x4110]  }
0x15c: {  	s29 =	smov.u32 s2;
	v2 =	vld [tilespmem:s9+$0x4120]  }
0x15d: {  	s19 =	simm.s32 $0x40;
	s25 =	simm.s32 $0x8;
	s0 =	simm.s32 $0x200  }
0x15e: {  	s8 =	sand.u32 $0x40, s19;
	s24 =	sand.u32 $0x3C00, s0;
	s11 =	simm.s32 $0x4;
	[tilespmem:s9+$0x8130] =	vst.add.f32.msk $0xffff, v5  }
.LBB2_11:
0x15f: {  	p0 =	sne.s32 s25, $0x3FC;
	s11 =	sand.u32 $0x380, s11;
	s8 =	sor.u32 s8, s24;
	[tilespmem:s9+$0x8100] =	vst.add.f32.msk $0xffff, v4  }
0x160: {  	s8 =	sor.u32 s11, s8;
	[tilespmem:s9+$0x8110] =	vst.add.f32.msk $0xffff, v3;
	s11 =	smov.u32 s25  }
0x161: {  	v5 =	vld [tilespmem:s8+$0x4130];
	v6 =	vmov v2  }
.Ltmp4:
0x162: {  	v4 =	vld [tilespmem:s8+$0x4100];
	(pc) =	sbr.rel @p0 .LBB2_11-.Ltmp4, $4  }
0x163: {  	v3 =	vld [tilespmem:s8+$0x4110]  }
0x164: {  	v2 =	vld [tilespmem:s8+$0x4120]  }
0x165: {  	s19 =	sadd.s32 $0x40, s19;
	s0 =	sadd.s32 $0x200, s0;
	[tilespmem:s9+$0x8120] =	vst.add.f32.msk $0xffff, v6;
	s9 =	smov.u32 s8  }
0x166: {  	s24 =	sand.u32 $0x3C00, s0;
	s25 =	sadd.s32 $0x4, s25;
	s8 =	sand.u32 $0x40, s19;
	[tilespmem:s9+$0x8130] =	vst.add.f32.msk $0xffff, v5  }
0x167: {  	s0 =	sand.u32 $0x380, s11;
	s8 =	sor.u32 s8, s24;
	[tilespmem:s9+$0x8100] =	vst.add.f32.msk $0xffff, v4  }
0x168: {  	s0 =	sor.u32 s0, s8;
	[tilespmem:s9+$0x8110] =	vst.add.f32.msk $0xffff, v3  }
0x169: {  	v3 =	vld [tilespmem:s0+$0x4130]  }
0x16a: {  	v4 =	vld [tilespmem:s0+$0x4100]  }
0x16b: {  	v5 =	vld [tilespmem:s0+$0x4110]  }
0x16c: {  	v6 =	vld [tilespmem:s0+$0x4120]  }
0x16d: {  	[tilespmem:s9+$0x8120] =	vst.add.f32.msk $0xffff, v2  }
0x16e: {  	[tilespmem:s0+$0x8130] =	vst.add.f32.msk $0xffff, v3  }
0x16f: {  	[tilespmem:s0+$0x8100] =	vst.add.f32.msk $0xffff, v4  }
0x170: {  	s11 =	sadd.s32 s5, s7;
	[tilespmem:s0+$0x8110] =	vst.add.f32.msk $0xffff, v5  }
0x171: {  	s2 =	simm.s32 $0x8100;
	s19 =	simm.s32 $0xA;
	s8 =	simm.s32 $0x0;
	[tilespmem:s0+$0x8120] =	vst.add.f32.msk $0xffff, v6  }
0x172: {  	[hbm4b:s11+s8] =	stream.linear.scatter [tilespmem:s2], [sflag:$0x7], $0x4000, $0x38;
	[tilespmem:$0x18100] =	vst v63  }
0x173: {  	_ =	swait.ge [sflag:s19], $0x4000  }
0x174: {  	[sflag:s19] =	ssyncset.done $0x0  }
0x175: {  	[sflag:s19] =	ssyncadd.s32 $0xFFFFC000  }
0x176: {  	v2 =	vld.msk [tilespmem:s3+$0xC0], $0xff;
	_ =	sdelay $0x4  }
0x177: {  	v3 =	vshll.u32 v2, $0x4  }
0x178: {  	v2 =	vand.u32 $0x7, v2;
	v3 =	vand.u32 $0xFFFFFF80, v3  }
0x179: {  	v2 =	vor.u32 v2, v3  }
0x17a: {  	v2 =	vperm.xlane v2, v0;
	_ =	sdelay $0x1  }
0x17b: {  	v2 =	vadd.s32 v1, v2;
	_ =	sdelay $0x4  }
0x17c: {  	[tilespmem:s28], [sflag:$0x6] =	stream.indirect_vreg.gather [hbm4b:s1+s8], $0x80, v2, vm0, $0xb8;
	[tilespmem:$0x18100] =	vst v63  }
0x17d: {  	s24 =	simm.s32 $0x14900  }
0x17e: {  	[tilespmem:s24], [sflag:$0x6] =	stream.indirect_vreg.gather [hbm4b:s12+s8], $0x80, v2, vm0, $0xb8;
	[tilespmem:$0x18100] =	vst v63  }
0x17f: {  	s25 =	simm.s32 $0x15100  }
0x180: {  	[tilespmem:s25], [sflag:$0x6] =	stream.indirect_vreg.gather [hbm4b:s13+s8], $0x80, v2, vm0, $0xb8;
	[tilespmem:$0x18100] =	vst v63  }
0x181: {  	s2 =	simm.s32 $0x15900  }
0x182: {  	[tilespmem:s2], [sflag:$0x6] =	stream.indirect_vreg.gather [hbm4b:s14+s8], $0x80, v2, vm0, $0xb8;
	[tilespmem:$0x18100] =	vst v63  }
0x183: {  	s3 =	simm.s32 $0x16100  }
0x184: {  	[tilespmem:s3], [sflag:$0x6] =	stream.indirect_vreg.gather [hbm4b:s15+s8], $0x80, v2, vm0, $0xb8;
	[tilespmem:$0x18100] =	vst v63  }
0x185: {  	s9 =	simm.s32 $0x16900  }
0x186: {  	[tilespmem:s9], [sflag:$0x6] =	stream.indirect_vreg.gather [hbm4b:s16+s8], $0x80, v2, vm0, $0xb8;
	[tilespmem:$0x18100] =	vst v63  }
0x187: {  	s11 =	simm.s32 $0x17100  }
0x188: {  	[tilespmem:s11], [sflag:$0x6] =	stream.indirect_vreg.gather [hbm4b:s17+s8], $0x80, v2, vm0, $0xb8;
	[tilespmem:$0x18100] =	vst v63  }
0x189: {  	s19 =	simm.s32 $0x17900  }
0x18a: {  	[tilespmem:s19], [sflag:$0x6] =	stream.indirect_vreg.gather [hbm4b:s18+s8], $0x80, v2, vm0, $0xb8;
	[tilespmem:$0x18100] =	vst v63  }
0x18b: {  	s24 =	sand.u32 $0x40, s8;
	s25 =	sand.u32 $0x3C00, s8;
	_ =	swait.ge [sflag:s20], $0x4000  }
0x18c: {  	s0 =	sor.u32 s24, s25;
	s8 =	sand.u32 $0x380, s8;
	[sflag:s20] =	ssyncset.done $0x0  }
0x18d: {  	s3 =	sor.u32 s8, s0;
	[sflag:s20] =	ssyncadd.s32 $0xFFFFC000  }
0x18e: {  	v5 =	vld [tilespmem:s3+$0x4130]  }
0x18f: {  	v4 =	vld [tilespmem:s3+$0x4100]  }
0x190: {  	v3 =	vld [tilespmem:s3+$0x4110]  }
0x191: {  	v2 =	vld [tilespmem:s3+$0x4120]  }
0x192: {  	s9 =	simm.s32 $0x40;
	s11 =	simm.s32 $0x4;
	s0 =	simm.s32 $0x200  }
0x193: {  	s19 =	simm.s32 $0x8;
	s8 =	sand.u32 $0x40, s9;
	s24 =	sand.u32 $0x3C00, s0;
	[tilespmem:s3+$0xC130] =	vst.add.f32.msk $0xffff, v5  }
.LBB2_13:
0x194: {  	p0 =	sne.s32 s19, $0x3FC;
	s11 =	sand.u32 $0x380, s11;
	s8 =	sor.u32 s8, s24;
	[tilespmem:s3+$0xC100] =	vst.add.f32.msk $0xffff, v4  }
0x195: {  	s8 =	sor.u32 s11, s8;
	[tilespmem:s3+$0xC110] =	vst.add.f32.msk $0xffff, v3;
	s11 =	smov.u32 s19  }
0x196: {  	v5 =	vld [tilespmem:s8+$0x4130];
	v6 =	vmov v2  }
.Ltmp5:
0x197: {  	v4 =	vld [tilespmem:s8+$0x4100];
	(pc) =	sbr.rel @p0 .LBB2_13-.Ltmp5, $4  }
0x198: {  	v3 =	vld [tilespmem:s8+$0x4110]  }
0x199: {  	v2 =	vld [tilespmem:s8+$0x4120]  }
0x19a: {  	s9 =	sadd.s32 $0x40, s9;
	s0 =	sadd.s32 $0x200, s0;
	[tilespmem:s3+$0xC120] =	vst.add.f32.msk $0xffff, v6;
	s3 =	smov.u32 s8  }
0x19b: {  	s24 =	sand.u32 $0x3C00, s0;
	s19 =	sadd.s32 $0x4, s19;
	s8 =	sand.u32 $0x40, s9;
	[tilespmem:s3+$0xC130] =	vst.add.f32.msk $0xffff, v5  }
0x19c: {  	s0 =	sand.u32 $0x380, s11;
	s8 =	sor.u32 s8, s24;
	[tilespmem:s3+$0xC100] =	vst.add.f32.msk $0xffff, v4  }
0x19d: {  	s0 =	sor.u32 s0, s8;
	[tilespmem:s3+$0xC110] =	vst.add.f32.msk $0xffff, v3  }
0x19e: {  	v3 =	vld [tilespmem:s0+$0x4130]  }
0x19f: {  	v4 =	vld [tilespmem:s0+$0x4100]  }
0x1a0: {  	v5 =	vld [tilespmem:s0+$0x4110]  }
0x1a1: {  	v6 =	vld [tilespmem:s0+$0x4120]  }
0x1a2: {  	[tilespmem:s3+$0xC120] =	vst.add.f32.msk $0xffff, v2  }
0x1a3: {  	[tilespmem:s0+$0xC130] =	vst.add.f32.msk $0xffff, v3  }
0x1a4: {  	[tilespmem:s0+$0xC100] =	vst.add.f32.msk $0xffff, v4  }
0x1a5: {  	s19 =	sor.u32 $0x80000, s7;
	p0 =	sgt.u32 s31, $0x6;
	[tilespmem:s0+$0xC110] =	vst.add.f32.msk $0xffff, v5  }
0x1a6: {  	s2 =	simm.s32 $0xC100;
	s24 =	sadd.s32 s5, s19;
	[tilespmem:s0+$0xC120] =	vst.add.f32.msk $0xffff, v6;
	s0 =	simm.s32 @!p0 $0x7  }
0x1a7: {  	[hbm4b:s24+s6] =	stream.linear.scatter [tilespmem:s2], [sflag:$0x8], $0x4000, $0x38;
	[tilespmem:$0x18100] =	vst v63  }
0x1a8: {  	_ =	swait.ge @!p0 [sflag:s0], $0x4000  }
0x1a9: {  	s3 =	sshll.u32 @!p0 s23, $0x4;
	[sflag:s0] =	ssyncset.done @!p0 $0x0  }
0x1aa: {  	s3 =	sand.u32 @!p0 $0x3FFFFFF0, s3;
	[sflag:s0] =	ssyncadd.s32 @!p0 $0xFFFFC000  }
0x1ab: {  	v2 =	vld.msk @!p0 [tilespmem:s3+$0x10], $0xff;
	_ =	sdelay $0x4  }
0x1ac: {  	v3 =	vshll.u32 @!p0 v2, $0x4  }
0x1ad: {  	v4 =	vlaneseq.u32 @!p0;
	v2 =	vand.u32 @!p0 $0x7, v2;
	v3 =	vand.u32 @!p0 $0xFFFFFF80, v3  }
0x1ae: {  	v2 =	vor.u32 @!p0 v2, v3;
	v3 =	vand.u32 @!p0 $0x7, v4;
	v4 =	vshrl.u32 @!p0 v4, $0x3  }
0x1af: {  	v2 =	vperm.xlane @!p0 v2, v3;
	v3 =	vmul.u32 @!p0 $0x8, v4;
	_ =	sdelay $0x1  }
0x1b0: {  	v2 =	vadd.s32 @!p0 v3, v2;
	_ =	sdelay $0x3  }
0x1b1: {  	vm1 =	vmmov @!p0 $0xffff;
	s8 =	simm.s32 @!p0 $0x8100;
	s0 =	simm.s32 @!p0 $0x0  }
0x1b2: {  	[tilespmem:s8], [sflag:$0x3] =	stream.indirect_vreg.gather @!p0 [hbm4b:s1+s0], $0x80, v2, vm1, $0xb8;
	[tilespmem:$0x18100] =	vst v63  }
0x1b3: {  	s8 =	simm.s32 @!p0 $0x8900  }
0x1b4: {  	[tilespmem:s8], [sflag:$0x3] =	stream.indirect_vreg.gather @!p0 [hbm4b:s12+s0], $0x80, v2, vm1, $0xb8;
	[tilespmem:$0x18100] =	vst v63  }
0x1b5: {  	s8 =	simm.s32 @!p0 $0x9100  }
0x1b6: {  	[tilespmem:s8], [sflag:$0x3] =	stream.indirect_vreg.gather @!p0 [hbm4b:s13+s0], $0x80, v2, vm1, $0xb8;
	[tilespmem:$0x18100] =	vst v63  }
0x1b7: {  	s8 =	simm.s32 @!p0 $0x9900  }
0x1b8: {  	[tilespmem:s8], [sflag:$0x3] =	stream.indirect_vreg.gather @!p0 [hbm4b:s14+s0], $0x80, v2, vm1, $0xb8;
	[tilespmem:$0x18100] =	vst v63  }
0x1b9: {  	s8 =	simm.s32 @!p0 $0xA100  }
0x1ba: {  	[tilespmem:s8], [sflag:$0x3] =	stream.indirect_vreg.gather @!p0 [hbm4b:s15+s0], $0x80, v2, vm1, $0xb8;
	[tilespmem:$0x18100] =	vst v63  }
0x1bb: {  	s8 =	simm.s32 @!p0 $0xA900  }
0x1bc: {  	[tilespmem:s8], [sflag:$0x3] =	stream.indirect_vreg.gather @!p0 [hbm4b:s16+s0], $0x80, v2, vm1, $0xb8;
	[tilespmem:$0x18100] =	vst v63  }
0x1bd: {  	s8 =	simm.s32 @!p0 $0xB100  }
0x1be: {  	[tilespmem:s8], [sflag:$0x3] =	stream.indirect_vreg.gather @!p0 [hbm4b:s17+s0], $0x80, v2, vm1, $0xb8;
	[tilespmem:$0x18100] =	vst v63  }
0x1bf: {  	s25 =	simm.s32 $0x0;
	s8 =	simm.s32 @!p0 $0xB900  }
0x1c0: {  	[tilespmem:s8], [sflag:$0x3] =	stream.indirect_vreg.gather @!p0 [hbm4b:s18+s0], $0x80, v2, vm1, $0xb8;
	[tilespmem:$0x18100] =	vst v63  }
0x1c1: {  	s31 =	sand.u32 $0x40, s25;
	s9 =	sand.u32 $0x3C00, s25;
	_ =	swait.ge [sflag:s22], $0x4000  }
0x1c2: {  	s0 =	sand.u32 $0x380, s25;
	s8 =	sor.u32 s31, s9;
	[sflag:s22] =	ssyncset.done $0x0  }
0x1c3: {  	s9 =	sor.u32 s0, s8;
	[sflag:s22] =	ssyncadd.s32 $0xFFFFC000  }
0x1c4: {  	v5 =	vld [tilespmem:s9+$0x4130]  }
0x1c5: {  	v4 =	vld [tilespmem:s9+$0x4100]  }
0x1c6: {  	v3 =	vld [tilespmem:s9+$0x4110]  }
0x1c7: {  	v2 =	vld [tilespmem:s9+$0x4120]  }
0x1c8: {  	s11 =	simm.s32 $0x4;
	s19 =	simm.s32 $0x40;
	s0 =	simm.s32 $0x200  }
0x1c9: {  	s25 =	simm.s32 $0x8;
	s8 =	sand.u32 $0x40, s19;
	s24 =	sand.u32 $0x3C00, s0;
	[tilespmem:s9+$0x10130] =	vst.add.f32.msk $0xffff, v5  }
.LBB2_15:
0x1ca: {  	p1 =	sne.s32 s25, $0x3FC;
	s11 =	sand.u32 $0x380, s11;
	s8 =	sor.u32 s8, s24;
	[tilespmem:s9+$0x10100] =	vst.add.f32.msk $0xffff, v4  }
0x1cb: {  	s8 =	sor.u32 s11, s8;
	[tilespmem:s9+$0x10110] =	vst.add.f32.msk $0xffff, v3;
	s11 =	smov.u32 s25  }
0x1cc: {  	v5 =	vld [tilespmem:s8+$0x4130];
	v6 =	vmov v2  }
.Ltmp6:
0x1cd: {  	v4 =	vld [tilespmem:s8+$0x4100];
	(pc) =	sbr.rel @p1 .LBB2_15-.Ltmp6, $4  }
0x1ce: {  	v3 =	vld [tilespmem:s8+$0x4110]  }
0x1cf: {  	v2 =	vld [tilespmem:s8+$0x4120]  }
0x1d0: {  	s19 =	sadd.s32 $0x40, s19;
	s0 =	sadd.s32 $0x200, s0;
	[tilespmem:s9+$0x10120] =	vst.add.f32.msk $0xffff, v6;
	s9 =	smov.u32 s8  }
0x1d1: {  	s24 =	sand.u32 $0x3C00, s0;
	s25 =	sadd.s32 $0x4, s25;
	s8 =	sand.u32 $0x40, s19;
	[tilespmem:s9+$0x10130] =	vst.add.f32.msk $0xffff, v5  }
0x1d2: {  	s0 =	sand.u32 $0x380, s11;
	s8 =	sor.u32 s8, s24;
	[tilespmem:s9+$0x10100] =	vst.add.f32.msk $0xffff, v4  }
0x1d3: {  	s0 =	sor.u32 s0, s8;
	[tilespmem:s9+$0x10110] =	vst.add.f32.msk $0xffff, v3  }
0x1d4: {  	v3 =	vld [tilespmem:s0+$0x4130]  }
0x1d5: {  	v4 =	vld [tilespmem:s0+$0x4100]  }
0x1d6: {  	v5 =	vld [tilespmem:s0+$0x4110]  }
0x1d7: {  	v6 =	vld [tilespmem:s0+$0x4120]  }
0x1d8: {  	[tilespmem:s9+$0x10120] =	vst.add.f32.msk $0xffff, v2  }
0x1d9: {  	[tilespmem:s0+$0x10130] =	vst.add.f32.msk $0xffff, v3  }
0x1da: {  	[tilespmem:s0+$0x10100] =	vst.add.f32.msk $0xffff, v4  }
0x1db: {  	s11 =	sor.u32 $0x100000, s7;
	[tilespmem:s0+$0x10110] =	vst.add.f32.msk $0xffff, v5  }
0x1dc: {  	s2 =	simm.s32 $0x10100;
	s19 =	sadd.s32 s5, s11;
	[tilespmem:s0+$0x10120] =	vst.add.f32.msk $0xffff, v6;
	s0 =	simm.s32 @!p0 $0x8  }
0x1dd: {  	[hbm4b:s19+s6] =	stream.linear.scatter [tilespmem:s2], [sflag:$0x9], $0x4000, $0x38;
	[tilespmem:$0x18100] =	vst v63  }
0x1de: {  	_ =	swait.ge @!p0 [sflag:s0], $0x4000  }
0x1df: {  	[sflag:s0] =	ssyncset.done @!p0 $0x0  }
0x1e0: {  	[sflag:s0] =	ssyncadd.s32 @!p0 $0xFFFFC000  }
0x1e1: {  	v2 =	vld.msk @!p0 [tilespmem:s3+$0x50], $0xff;
	_ =	sdelay $0x4  }
0x1e2: {  	v3 =	vshll.u32 @!p0 v2, $0x4  }
0x1e3: {  	v4 =	vlaneseq.u32 @!p0;
	v2 =	vand.u32 @!p0 $0x7, v2;
	v3 =	vand.u32 @!p0 $0xFFFFFF80, v3  }
0x1e4: {  	v2 =	vor.u32 @!p0 v2, v3;
	v3 =	vand.u32 @!p0 $0x7, v4;
	v4 =	vshrl.u32 @!p0 v4, $0x3  }
0x1e5: {  	v2 =	vperm.xlane @!p0 v2, v3;
	v3 =	vmul.u32 @!p0 $0x8, v4;
	_ =	sdelay $0x1  }
0x1e6: {  	v2 =	vadd.s32 @!p0 v3, v2;
	_ =	sdelay $0x3  }
0x1e7: {  	s8 =	simm.s32 @!p0 $0xC100;
	s0 =	simm.s32 @!p0 $0x0  }
0x1e8: {  	[tilespmem:s8], [sflag:$0x4] =	stream.indirect_vreg.gather @!p0 [hbm4b:s1+s0], $0x80, v2, vm1, $0xb8;
	[tilespmem:$0x18100] =	vst v63  }
0x1e9: {  	s8 =	simm.s32 @!p0 $0xC900  }
0x1ea: {  	[tilespmem:s8], [sflag:$0x4] =	stream.indirect_vreg.gather @!p0 [hbm4b:s12+s0], $0x80, v2, vm1, $0xb8;
	[tilespmem:$0x18100] =	vst v63  }
0x1eb: {  	s8 =	simm.s32 @!p0 $0xD100  }
0x1ec: {  	[tilespmem:s8], [sflag:$0x4] =	stream.indirect_vreg.gather @!p0 [hbm4b:s13+s0], $0x80, v2, vm1, $0xb8;
	[tilespmem:$0x18100] =	vst v63  }
0x1ed: {  	s8 =	simm.s32 @!p0 $0xD900  }
0x1ee: {  	[tilespmem:s8], [sflag:$0x4] =	stream.indirect_vreg.gather @!p0 [hbm4b:s14+s0], $0x80, v2, vm1, $0xb8;
	[tilespmem:$0x18100] =	vst v63  }
0x1ef: {  	s8 =	simm.s32 @!p0 $0xE100  }
0x1f0: {  	[tilespmem:s8], [sflag:$0x4] =	stream.indirect_vreg.gather @!p0 [hbm4b:s15+s0], $0x80, v2, vm1, $0xb8;
	[tilespmem:$0x18100] =	vst v63  }
0x1f1: {  	s8 =	simm.s32 @!p0 $0xE900  }
0x1f2: {  	[tilespmem:s8], [sflag:$0x4] =	stream.indirect_vreg.gather @!p0 [hbm4b:s16+s0], $0x80, v2, vm1, $0xb8;
	[tilespmem:$0x18100] =	vst v63  }
0x1f3: {  	s8 =	simm.s32 @!p0 $0xF100  }
0x1f4: {  	[tilespmem:s8], [sflag:$0x4] =	stream.indirect_vreg.gather @!p0 [hbm4b:s17+s0], $0x80, v2, vm1, $0xb8;
	[tilespmem:$0x18100] =	vst v63  }
0x1f5: {  	s24 =	simm.s32 $0x0;
	s8 =	simm.s32 @!p0 $0xF900  }
0x1f6: {  	[tilespmem:s8], [sflag:$0x4] =	stream.indirect_vreg.gather @!p0 [hbm4b:s18+s0], $0x80, v2, vm1, $0xb8;
	[tilespmem:$0x18100] =	vst v63  }
0x1f7: {  	s25 =	sand.u32 $0x40, s24;
	s31 =	sand.u32 $0x3C00, s24;
	_ =	swait.ge [sflag:s10], $0x4000  }
0x1f8: {  	s0 =	sand.u32 $0x380, s24;
	s8 =	sor.u32 s25, s31;
	[sflag:s10] =	ssyncset.done $0x0  }
0x1f9: {  	s9 =	sor.u32 s0, s8;
	[sflag:s10] =	ssyncadd.s32 $0xFFFFC000  }
0x1fa: {  	v5 =	vld [tilespmem:s9+$0x4130]  }
0x1fb: {  	v4 =	vld [tilespmem:s9+$0x4100]  }
0x1fc: {  	v3 =	vld [tilespmem:s9+$0x4110]  }
0x1fd: {  	v2 =	vld [tilespmem:s9+$0x4120]  }
0x1fe: {  	s11 =	simm.s32 $0x4;
	s19 =	simm.s32 $0x40;
	s0 =	simm.s32 $0x200  }
0x1ff: {  	s25 =	simm.s32 $0x8;
	s8 =	sand.u32 $0x40, s19;
	s24 =	sand.u32 $0x3C00, s0;
	[tilespmem:s9+$0x14130] =	vst.add.f32.msk $0xffff, v5  }
.LBB2_17:
0x200: {  	p1 =	sne.s32 s25, $0x3FC;
	s11 =	sand.u32 $0x380, s11;
	s8 =	sor.u32 s8, s24;
	[tilespmem:s9+$0x14100] =	vst.add.f32.msk $0xffff, v4  }
0x201: {  	s8 =	sor.u32 s11, s8;
	[tilespmem:s9+$0x14110] =	vst.add.f32.msk $0xffff, v3;
	s11 =	smov.u32 s25  }
0x202: {  	v5 =	vld [tilespmem:s8+$0x4130];
	v6 =	vmov v2  }
.Ltmp7:
0x203: {  	v4 =	vld [tilespmem:s8+$0x4100];
	(pc) =	sbr.rel @p1 .LBB2_17-.Ltmp7, $4  }
0x204: {  	v3 =	vld [tilespmem:s8+$0x4110]  }
0x205: {  	v2 =	vld [tilespmem:s8+$0x4120]  }
0x206: {  	s19 =	sadd.s32 $0x40, s19;
	s0 =	sadd.s32 $0x200, s0;
	[tilespmem:s9+$0x14120] =	vst.add.f32.msk $0xffff, v6;
	s9 =	smov.u32 s8  }
0x207: {  	s24 =	sand.u32 $0x3C00, s0;
	s25 =	sadd.s32 $0x4, s25;
	s8 =	sand.u32 $0x40, s19;
	[tilespmem:s9+$0x14130] =	vst.add.f32.msk $0xffff, v5  }
0x208: {  	s0 =	sand.u32 $0x380, s11;
	s8 =	sor.u32 s8, s24;
	[tilespmem:s9+$0x14100] =	vst.add.f32.msk $0xffff, v4  }
0x209: {  	s0 =	sor.u32 s0, s8;
	[tilespmem:s9+$0x14110] =	vst.add.f32.msk $0xffff, v3  }
0x20a: {  	v3 =	vld [tilespmem:s0+$0x4130]  }
0x20b: {  	v4 =	vld [tilespmem:s0+$0x4100]  }
0x20c: {  	v5 =	vld [tilespmem:s0+$0x4110]  }
0x20d: {  	v6 =	vld [tilespmem:s0+$0x4120]  }
0x20e: {  	[tilespmem:s9+$0x14120] =	vst.add.f32.msk $0xffff, v2  }
0x20f: {  	[tilespmem:s0+$0x14130] =	vst.add.f32.msk $0xffff, v3  }
0x210: {  	[tilespmem:s0+$0x14100] =	vst.add.f32.msk $0xffff, v4  }
0x211: {  	[tilespmem:s0+$0x14110] =	vst.add.f32.msk $0xffff, v5  }
0x212: {  	s31 =	sadd.s32 s7, s21;
	[tilespmem:s0+$0x14120] =	vst.add.f32.msk $0xffff, v6;
	s0 =	simm.s32 @!p0 $0x9  }
0x213: {  	[hbm4b:s31+s6] =	stream.linear.scatter [tilespmem:s28], [sflag:$0xA], $0x4000, $0x38;
	[tilespmem:$0x18100] =	vst v63  }
0x214: {  	_ =	swait.ge @!p0 [sflag:s0], $0x4000  }
0x215: {  	[sflag:s0] =	ssyncset.done @!p0 $0x0  }
0x216: {  	[sflag:s0] =	ssyncadd.s32 @!p0 $0xFFFFC000  }
0x217: {  	v2 =	vld.msk @!p0 [tilespmem:s3+$0x90], $0xff;
	_ =	sdelay $0x4  }
0x218: {  	v3 =	vshll.u32 @!p0 v2, $0x4  }
0x219: {  	v4 =	vlaneseq.u32 @!p0;
	v2 =	vand.u32 @!p0 $0x7, v2;
	v3 =	vand.u32 @!p0 $0xFFFFFF80, v3  }
0x21a: {  	v2 =	vor.u32 @!p0 v2, v3;
	v3 =	vand.u32 @!p0 $0x7, v4;
	v4 =	vshrl.u32 @!p0 v4, $0x3  }
0x21b: {  	v2 =	vperm.xlane @!p0 v2, v3;
	v3 =	vmul.u32 @!p0 $0x8, v4;
	_ =	sdelay $0x1  }
0x21c: {  	v2 =	vadd.s32 @!p0 v3, v2;
	_ =	sdelay $0x3  }
0x21d: {  	s0 =	simm.s32 @!p0 $0x0;
	s3 =	simm.s32 @!p0 $0x10100  }
0x21e: {  	[tilespmem:s3], [sflag:$0x5] =	stream.indirect_vreg.gather @!p0 [hbm4b:s1+s0], $0x80, v2, vm1, $0xb8;
	[tilespmem:$0x18100] =	vst v63  }
0x21f: {  	s3 =	simm.s32 @!p0 $0x10900  }
0x220: {  	[tilespmem:s3], [sflag:$0x5] =	stream.indirect_vreg.gather @!p0 [hbm4b:s12+s0], $0x80, v2, vm1, $0xb8;
	[tilespmem:$0x18100] =	vst v63  }
0x221: {  	s3 =	simm.s32 @!p0 $0x11100  }
0x222: {  	[tilespmem:s3], [sflag:$0x5] =	stream.indirect_vreg.gather @!p0 [hbm4b:s13+s0], $0x80, v2, vm1, $0xb8;
	[tilespmem:$0x18100] =	vst v63  }
0x223: {  	s3 =	simm.s32 @!p0 $0x11900  }
0x224: {  	[tilespmem:s3], [sflag:$0x5] =	stream.indirect_vreg.gather @!p0 [hbm4b:s14+s0], $0x80, v2, vm1, $0xb8;
	[tilespmem:$0x18100] =	vst v63  }
0x225: {  	s3 =	simm.s32 @!p0 $0x12100  }
0x226: {  	[tilespmem:s3], [sflag:$0x5] =	stream.indirect_vreg.gather @!p0 [hbm4b:s15+s0], $0x80, v2, vm1, $0xb8;
	[tilespmem:$0x18100] =	vst v63  }
0x227: {  	s3 =	simm.s32 @!p0 $0x12900  }
0x228: {  	[tilespmem:s3], [sflag:$0x5] =	stream.indirect_vreg.gather @!p0 [hbm4b:s16+s0], $0x80, v2, vm1, $0xb8;
	[tilespmem:$0x18100] =	vst v63  }
0x229: {  	s3 =	simm.s32 @!p0 $0x13100  }
0x22a: {  	[tilespmem:s3], [sflag:$0x5] =	stream.indirect_vreg.gather @!p0 [hbm4b:s17+s0], $0x80, v2, vm1, $0xb8;
	[tilespmem:$0x18100] =	vst v63  }
0x22b: {  	s23 =	sadd.s32 $0x1, s23;
	s3 =	simm.s32 @!p0 $0x13900  }
0x22c: {  	[tilespmem:s3], [sflag:$0x5] =	stream.indirect_vreg.gather @!p0 [hbm4b:s18+s0], $0x80, v2, vm1, $0xb8;
	[tilespmem:$0x18100] =	vst v63  }
0x22d: {  	p0 =	sne.s32 s23, $0x4  }
.Ltmp8:
0x22e: {  	_ = 	snop;
	(pc) =	sbr.rel @p0 .LBB2_2-.Ltmp8, $1  }
0x22f: {  	_ =	sdelay $0x3  }
0x230: {  	s3 =	simm.s32 $0x7  }
0x231: {  	_ =	swait.ge [sflag:s3], $0x4000  }
0x232: {  	[sflag:s3] =	ssyncset.done $0x0  }
0x233: {  	s7 =	simm.s32 $0x8;
	[sflag:s3] =	ssyncadd.s32 $0xFFFFC000  }
0x234: {  	_ =	swait.ge [sflag:s7], $0x4000  }
0x235: {  	[sflag:s7] =	ssyncset.done $0x0  }
0x236: {  	[sflag:s7] =	ssyncadd.s32 $0xFFFFC000  }
0x237: {  	_ =	swait.ge [sflag:s30], $0x4000  }
0x238: {  	[sflag:s30] =	ssyncset.done $0x0  }
0x239: {  	s8 =	simm.s32 $0xA;
	[sflag:s30] =	ssyncadd.s32 $0xFFFFC000  }
0x23a: {  	_ =	swait.ge [sflag:s8], $0x4000  }
0x23b: {  	s2 =	rddreg [dreg:$0xe]  }
0x23c: {  	s0 =	rddreg [dreg:$0xd];
	s2 =	sadd.s32 $0x1, s2  }
0x23d: {  	p0 =	sne.s32 s2, s0  }
.Ltmp9:
0x23e: {  	_ = 	snop;
	(pc) =	sbr.rel @p0 .LBB2_1-.Ltmp9, $3  }
0x23f: {  	_ =	sdelay $0x1  }
0x240: {  	[sflag:s8] =	ssyncset.done $0x0  }
0x241: {  	[sflag:s8] =	ssyncadd.s32 $0xFFFFC000  }
0x242: {  	_ =	sfence.sel $0x180000  }
0x243: {  	[bflag:$0x0] =	sbarrier.arrive $0xFFFF  }
0x244: {  	_ =	strace $0x90000047  }
0x245: {  	s0 =	stileid.u32;
	[bflag:$0x2] =	sbarrier.arrive $0xFFFF  }
0x246: {  	p0 =	sne.s32 s0, $0x0;
	s0 =	rddreg [dreg:$0x4]  }
0x247: {  	s0 =	sadd.s32 @!p0 $0x100000, s0  }
0x248: {  	[sflag:s0] =	ssyncadd.tile.s32 @!p0 $0x1;
	_ =	shalt  }
.Lfunc_end2:
_tile_overlayer_lowered:
.L_overlay_start_2:
0x249: {  	(tag) =	ssettag $0x2  }
0x24a: {  	s0 =	rddreg [dreg:$0x0];
	s2 =	stileid.u32  }
0x24b: {  	s1 =	rddreg [dreg:$0x1];
	p0 =	sne.s32 s2, $0x0  }
0x24c: {  	s3 =	rddreg [dreg:$0x2];
	[bflag:$0x3] =	sbarrier.arrive $0xFFFF;
	s2 =	simm.s32 @!p0 $0x1C0B  }
0x24d: {  	[timem:s3], [sflag:s2] =	dma.local @!p0 [hbm:s0], s1  }
0x24e: {  	s0 =	simm.s32 @!p0 $0xB  }
0x24f: {  	_ =	swait.ge @!p0 [sflag:s0], s1  }
0x250: {  	s1 =	ssub.s32 @!p0 $0x0, s1;
	[sflag:s0] =	ssyncset.done @!p0 $0x0  }
0x251: {  	[sflag:s0] =	ssyncadd.s32 @!p0 s1  }
0x252: {  	[bflag:$0x3] =	sbarrier.arrive $0xFFFF  }
0x253: {  	_ =	shalt  }

</sc_bundles>
